<compile_context>
chip_gen: v7x
topology: tpu7x:2x2x1
jax: 0.10.2.dev20260603
libtpu: 0.0.44.dev20260713+nightly
codegen_flags: <defaults>
</compile_context>

<pallas_src>
import functools

import jax
import jax.numpy as jnp
from jax import lax
from jax.experimental import pallas as pl
from jax.experimental.pallas import tpu as pltpu
from jax.experimental.pallas import tpu_sc as plsc

N = 10000
N_PAD = 10240
ROWS_PER_TILE = 640
EDGES = 320000
EPT = 20000
EJ = 157
EPT_PAD = EJ * 128
PAD_ROW = N + 200
K_STEPS = 5
NSUB = 1000
NSUB_PAD = 1024
EPS = 1e-6


def _build_sc_kernel():
    mesh = plsc.VectorSubcoreMesh(core_axis_name="c", subcore_axis_name="s")

    @functools.partial(
        pl.kernel,
        mesh=mesh,
        compiler_params=pltpu.CompilerParams(needs_layout_passes=False),
        out_type=[
            jax.ShapeDtypeStruct((N_PAD,), jnp.float32),
            jax.ShapeDtypeStruct((N_PAD,), jnp.float32),
            jax.ShapeDtypeStruct((2 * NSUB_PAD,), jnp.float32),
        ],
        scratch_types=[
            pltpu.VMEM((EJ, 128), jnp.int32),
            pltpu.VMEM((EJ, 128), jnp.int32),
            pltpu.VMEM((EJ, 128), jnp.float32),
            pltpu.VMEM((EJ, 128), jnp.float32),
            pltpu.VMEM((N_PAD,), jnp.float32),
            pltpu.VMEM((N_PAD,), jnp.float32),
            pltpu.VMEM((ROWS_PER_TILE,), jnp.float32),
            pltpu.VMEM((ROWS_PER_TILE,), jnp.float32),
            pltpu.VMEM((ROWS_PER_TILE,), jnp.float32),
            pltpu.VMEM((ROWS_PER_TILE,), jnp.float32),
            pltpu.VMEM((ROWS_PER_TILE,), jnp.float32),
            pltpu.VMEM((ROWS_PER_TILE,), jnp.float32),
            pltpu.VMEM((NSUB_PAD,), jnp.int32),
            pltpu.VMEM((NSUB_PAD,), jnp.int32),
            pltpu.VMEM((16,), jnp.float32),
            pltpu.VMEM((16,), jnp.float32),
            pltpu.VMEM_SHARED((N_PAD,), jnp.float32),
            pltpu.VMEM_SHARED((N_PAD,), jnp.float32),
            pltpu.VMEM_SHARED((N_PAD,), jnp.float32),
            pltpu.VMEM_SHARED((N_PAD,), jnp.float32),
        ],
    )
    def sc_kernel(rows_hbm, cols_hbm, pos_hbm, neg_hbm, alpha_hbm,
                  eout0, eout1, vals_out,
                  ridx, cidx, vals0, vals1, e_loc0, e_loc1,
                  accbuf0, accbuf1, enew0, enew1, dwrow, zbuf,
                  pos_v, neg_v, alpha_v, cbuf,
                  acc0_sh, acc1_sh, e0_sh, e1_sh):
        s = lax.axis_index("s")
        core = lax.axis_index("c")
        lane = lax.iota(jnp.int32, 16)
        zeros_f = jnp.zeros((16,), jnp.float32)
        ones_f = jnp.ones((16,), jnp.float32)
        row0 = s * ROWS_PER_TILE

        pltpu.sync_copy(rows_hbm.at[s], ridx)
        pltpu.sync_copy(cols_hbm.at[s], cidx)
        pltpu.sync_copy(pos_hbm, pos_v)
        pltpu.sync_copy(neg_hbm, neg_v)
        pltpu.sync_copy(alpha_hbm, alpha_v)
        araw = alpha_v[...]
        alpha = 1.0 / (1.0 + jnp.exp(-araw))
        one_m_alpha = 1.0 - alpha

        def zloop(k, carry):
            zbuf[pl.ds(k * 16, 16)] = zeros_f
            return carry
        lax.fori_loop(0, ROWS_PER_TILE // 16, zloop, 0)

        def eloop(k, carry):
            e_loc0[pl.ds(k * 16, 16)] = zeros_f
            e_loc1[pl.ds(k * 16, 16)] = zeros_f
            return carry
        lax.fori_loop(0, N_PAD // 16, eloop, 0)

        def sloop(k, carry):
            ip = pos_v[pl.ds(k * 16, 16)]
            plsc.store_scatter(e_loc1, [ip], ones_f)
            iq = neg_v[pl.ds(k * 16, 16)]
            plsc.store_scatter(e_loc0, [iq], ones_f)
            return carry
        lax.fori_loop(0, NSUB_PAD // 16, sloop, 0)

        pltpu.sync_copy(zbuf, acc0_sh.at[pl.ds(row0, ROWS_PER_TILE)])
        pltpu.sync_copy(zbuf, acc1_sh.at[pl.ds(row0, ROWS_PER_TILE)])
        plsc.subcore_barrier()

        def oloop(j, carry):
            for q in range(8):
                vals0[j, pl.ds(q * 16, 16)] = ones_f
            return carry
        lax.fori_loop(0, EJ, oloop, 0)

        def dscat(j, carry):
            pltpu.sync_copy(vals0.at[j], acc0_sh.at[ridx.at[j]], add=True)
            return carry
        lax.fori_loop(0, EJ, dscat, 0)
        plsc.subcore_barrier()

        pltpu.sync_copy(acc0_sh.at[pl.ds(row0, ROWS_PER_TILE)], accbuf0)

        def dloop(k, carry):
            deg = accbuf0[pl.ds(k * 16, 16)]
            dwrow[pl.ds(k * 16, 16)] = 1.0 / jnp.maximum(deg, 1e-12)
            return carry
        lax.fori_loop(0, ROWS_PER_TILE // 16, dloop, 0)
        pltpu.sync_copy(zbuf, acc0_sh.at[pl.ds(row0, ROWS_PER_TILE)])
        plsc.subcore_barrier()

        def step(step_i, carry):
            def gloop(j, c2):
                for q in range(8):
                    c = cidx[j, pl.ds(q * 16, 16)]
                    vals0[j, pl.ds(q * 16, 16)] = plsc.load_gather(e_loc0, [c])
                    vals1[j, pl.ds(q * 16, 16)] = plsc.load_gather(e_loc1, [c])
                return c2
            lax.fori_loop(0, EJ, gloop, 0)

            def scat(j, c2):
                pltpu.sync_copy(vals0.at[j], acc0_sh.at[ridx.at[j]], add=True)
                pltpu.sync_copy(vals1.at[j], acc1_sh.at[ridx.at[j]], add=True)
                return c2
            lax.fori_loop(0, EJ, scat, 0)
            plsc.subcore_barrier()

            pltpu.sync_copy(acc0_sh.at[pl.ds(row0, ROWS_PER_TILE)], accbuf0)
            pltpu.sync_copy(acc1_sh.at[pl.ds(row0, ROWS_PER_TILE)], accbuf1)

            def floop(k, c2):
                sl = pl.ds(k * 16, 16)
                n0 = accbuf0[sl]
                n1 = accbuf1[sl]
                d = dwrow[sl]
                e0 = e_loc0[pl.ds(row0 + k * 16, 16)]
                e1 = e_loc1[pl.ds(row0 + k * 16, 16)]
                enew0[sl] = alpha * e0 + one_m_alpha * (n0 * d)
                enew1[sl] = alpha * e1 + one_m_alpha * (n1 * d)
                return c2
            lax.fori_loop(0, ROWS_PER_TILE // 16, floop, 0)

            pltpu.sync_copy(zbuf, acc0_sh.at[pl.ds(row0, ROWS_PER_TILE)])
            pltpu.sync_copy(zbuf, acc1_sh.at[pl.ds(row0, ROWS_PER_TILE)])
            pltpu.sync_copy(enew0, e0_sh.at[pl.ds(row0, ROWS_PER_TILE)])
            pltpu.sync_copy(enew1, e1_sh.at[pl.ds(row0, ROWS_PER_TILE)])
            plsc.subcore_barrier()

            pltpu.sync_copy(e0_sh, e_loc0)
            pltpu.sync_copy(e1_sh, e_loc1)
            return carry
        lax.fori_loop(0, K_STEPS, step, 0)

        for q in range(4):
            base = (s * 4 + q) * 16
            msk = (base + lane) < NSUB
            ip = pos_v[pl.ds(base, 16)]
            gp = plsc.load_gather(e_loc1, [ip])
            cbuf[...] = jnp.where(msk, jnp.maximum(gp, EPS), 1.0)

            @pl.when(core == 0)
            def _():
                pltpu.sync_copy(cbuf, vals_out.at[pl.ds(base, 16)])

            iq = neg_v[pl.ds(base, 16)]
            gn = plsc.load_gather(e_loc0, [iq])
            cbuf[...] = jnp.where(msk, jnp.maximum(gn, EPS), 1.0)

            @pl.when(core == 0)
            def _():
                pltpu.sync_copy(cbuf, vals_out.at[pl.ds(NSUB_PAD + base, 16)])

        @pl.when(core == 0)
        def _():
            pltpu.sync_copy(e_loc0.at[pl.ds(row0, ROWS_PER_TILE)],
                            eout0.at[pl.ds(row0, ROWS_PER_TILE)])
            pltpu.sync_copy(e_loc1.at[pl.ds(row0, ROWS_PER_TILE)],
                            eout1.at[pl.ds(row0, ROWS_PER_TILE)])

    return sc_kernel


_SC_KERNEL = _build_sc_kernel()


def _loss_body(v_ref, o_ref):
    v = v_ref[...]
    total = -jnp.sum(jnp.log(v)) / jnp.float32(NSUB)
    o_ref[...] = jnp.full((8, 128), total, jnp.float32)


_LOSS_CALL = pl.pallas_call(
    _loss_body,
    out_shape=jax.ShapeDtypeStruct((8, 128), jnp.float32),
)


def kernel(embeddings, edge_index, sub_pos, sub_neg, raw_alpha):
    rows = edge_index[0]
    cols = edge_index[1]
    rows_p = jnp.concatenate(
        [rows.reshape(16, EPT),
         jnp.full((16, EPT_PAD - EPT), PAD_ROW, jnp.int32)],
        axis=1).reshape(16, EJ, 128)
    cols_p = jnp.concatenate(
        [cols.reshape(16, EPT),
         jnp.zeros((16, EPT_PAD - EPT), jnp.int32)],
        axis=1).reshape(16, EJ, 128)
    pos_p = jnp.concatenate(
        [sub_pos, jnp.full((NSUB_PAD - NSUB,), PAD_ROW, jnp.int32)])
    neg_p = jnp.concatenate(
        [sub_neg, jnp.full((NSUB_PAD - NSUB,), PAD_ROW, jnp.int32)])
    alpha16 = jnp.full((16,), raw_alpha, jnp.float32)

    e0, e1, vals = _SC_KERNEL(rows_p, cols_p, pos_p, neg_p, alpha16)
    E = jnp.stack([e0[:N], e1[:N]], axis=1)
    lp = _LOSS_CALL(vals.reshape(16, 128))[0, 0]
    return (lp, E)

# --- scband reference (transcript-rebuilt; emitter-appended) ---
"""Pipeline reference for scband-label-propagation-loss-22978075034434 (READ-ONLY COPY).

The authoritative reference and input builder live on the scoring server;
editing this copy changes nothing except your own understanding.
"""

import jax, jax.numpy as jnp
import numpy as np

N_NODES = 10000
N_EDGES = 320000
D_FEAT = 128
N_POS = 1000
N_NEG = 1000
K_STEPS = 5


def setup_inputs(seed: int = 0) -> dict:
    key = jax.random.key(seed)
    k1, k2, k3, k4 = jax.random.split(key, 4)
    embeddings = jax.random.normal(k1, (N_NODES, D_FEAT), dtype=jnp.float32)
    edge_index = jax.random.randint(k2, (2, N_EDGES), 0, N_NODES, dtype=jnp.int32)
    sub_pos = jax.random.randint(k3, (N_POS,), 0, N_NODES, dtype=jnp.int32)
    sub_neg = jax.random.randint(k4, (N_NEG,), 0, N_NODES, dtype=jnp.int32)
    # learned parameter: raw_alpha (nn.Parameter initialized to alpha=0.5)
    raw_alpha = jnp.asarray(0.5, dtype=jnp.float32)
    return {
        'embeddings': embeddings,
        'edge_index': edge_index,
        'sub_pos': sub_pos,
        'sub_neg': sub_neg,
        'raw_alpha': raw_alpha,
    }


def reference(embeddings, edge_index, sub_pos, sub_neg, raw_alpha):
    alpha = jax.nn.sigmoid(raw_alpha)
    num_nodes_sub = embeddings.shape[0]
    # initial label distribution
    E = jnp.zeros((num_nodes_sub, 2), dtype=jnp.float32)
    E = E.at[sub_pos, 1].set(1.0)
    E = E.at[sub_neg, 0].set(1.0)
    row = edge_index[0]
    col = edge_index[1]
    # row sums of binary sparse adjacency (sub_A.sum(dim=1))
    ones = jnp.ones((row.shape[0],), dtype=jnp.float32)
    row_sum = jax.ops.segment_sum(ones, row, num_segments=num_nodes_sub)
    d_inv = 1.0 / jnp.maximum(row_sum, 1e-12)
    # K-step label propagation: neighbor_E = sub_A @ E (gather by col, scatter-add by row)
    for _ in range(K_STEPS):
        gathered = jnp.take(E, col, axis=0)
        neighbor_E = jax.ops.segment_sum(gathered, row, num_segments=num_nodes_sub)
        neighbor_E = d_inv[:, None] * neighbor_E
        E = alpha * E + (1.0 - alpha) * neighbor_E
    eps = 1e-06
    pos_probs = jnp.maximum(E[sub_pos, 1], eps)
    neg_probs = jnp.maximum(E[sub_neg, 0], eps)
    pos_loss = -jnp.log(pos_probs).mean()
    neg_loss = -jnp.log(neg_probs).mean()
    lp_loss = pos_loss + neg_loss
    return (lp_loss, E)

if __name__ == "__main__":
    import jax
    _d = setup_inputs()
    print(jax.jit(kernel)(*tuple(_d.values())))

</pallas_src>

<mosaic_0001>
#map = affine_map<(d0, d1) -> (0, 0, 0)>
#map1 = affine_map<(d0, d1) -> (0)>
module attributes {stable_mosaic.version = 14 : i64} {
  func.func @sc_kernel(%arg0: i32, %arg1: i32, %arg2: memref<16x157x128xi32, #tpu.memory_space<hbm>>, %arg3: memref<16x157x128xi32, #tpu.memory_space<hbm>>, %arg4: memref<1024xi32, #tpu.memory_space<hbm>>, %arg5: memref<1024xi32, #tpu.memory_space<hbm>>, %arg6: memref<16xf32, #tpu.memory_space<hbm>>, %arg7: memref<10240xf32, #tpu.memory_space<hbm>>, %arg8: memref<10240xf32, #tpu.memory_space<hbm>>, %arg9: memref<2048xf32, #tpu.memory_space<hbm>>, %arg10: memref<157x128xi32, #tpu.memory_space<vmem>>, %arg11: memref<157x128xi32, #tpu.memory_space<vmem>>, %arg12: memref<157x128xf32, #tpu.memory_space<vmem>>, %arg13: memref<157x128xf32, #tpu.memory_space<vmem>>, %arg14: memref<10240xf32, #tpu.memory_space<vmem>>, %arg15: memref<10240xf32, #tpu.memory_space<vmem>>, %arg16: memref<640xf32, #tpu.memory_space<vmem>>, %arg17: memref<640xf32, #tpu.memory_space<vmem>>, %arg18: memref<640xf32, #tpu.memory_space<vmem>>, %arg19: memref<640xf32, #tpu.memory_space<vmem>>, %arg20: memref<640xf32, #tpu.memory_space<vmem>>, %arg21: memref<640xf32, #tpu.memory_space<vmem>>, %arg22: memref<1024xi32, #tpu.memory_space<vmem>>, %arg23: memref<1024xi32, #tpu.memory_space<vmem>>, %arg24: memref<16xf32, #tpu.memory_space<vmem>>, %arg25: memref<16xf32, #tpu.memory_space<vmem>>, %arg26: memref<10240xf32, #tpu.memory_space<vmem_shared>>, %arg27: memref<10240xf32, #tpu.memory_space<vmem_shared>>, %arg28: memref<10240xf32, #tpu.memory_space<vmem_shared>>, %arg29: memref<10240xf32, #tpu.memory_space<vmem_shared>>) attributes {dimension_semantics = [#tpu.dimension_semantics<core_parallel>, #tpu.dimension_semantics<subcore_parallel>], iteration_bounds = array<i64: 2, 16>, scalar_prefetch = 0 : i64, scratch_operands = 20 : i64, tpu.core_type = #tpu.core_type<sc_vector_subcore>, window_params = [{transform_indices = #map}, {transform_indices = #map}, {transform_indices = #map1}, {transform_indices = #map1}, {transform_indices = #map1}, {transform_indices = #map1}, {transform_indices = #map1}, {transform_indices = #map1}]} {
    %iota3A = tpu.iota {dimensions = array<i32: 0>} : vector<16xi32>
    %broadcast_in_dim3A = arith.constant 0.000000e+00 : f32
    %broadcast_in_dim3A_0 = vector.broadcast %broadcast_in_dim3A : f32 to vector<16xf32>
    %broadcast_in_dim3A_1 = arith.constant 1.000000e+00 : f32
    %broadcast_in_dim3A_2 = vector.broadcast %broadcast_in_dim3A_1 : f32 to vector<16xf32>
    %mul3A = arith.constant 640 : i32
    %mul3A_3 = arith.muli %arg1, %mul3A : i32
    "tpu.region"() ({
      %run_scoped3A = tpu.sem_alloc : memref<!tpu.dma_semaphore, #tpu.memory_space<semaphore_mem>>
      %dma_start3A = arith.constant 0 : i32
      %dma_start3A_224 = arith.constant 0 : i32
      %dma_start3A_225 = tpu.memref_slice %arg2[%arg1, %dma_start3A, %dma_start3A_224] : memref<16x157x128xi32, #tpu.memory_space<hbm>> -> memref<1x157x128xi32, #tpu.memory_space<hbm>>
      %dma_start3A_226 = tpu.memref_squeeze %dma_start3A_225 : memref<1x157x128xi32, #tpu.memory_space<hbm>> -> memref<157x128xi32, #tpu.memory_space<hbm>>
      %dma_start3A_227 = arith.constant 0 : i32
      %dma_start3A_228 = arith.constant 0 : i32
      %dma_start3A_229 = tpu.memref_slice %arg2[%arg1, %dma_start3A_227, %dma_start3A_228] : memref<16x157x128xi32, #tpu.memory_space<hbm>> -> memref<1x157x128xi32, #tpu.memory_space<hbm>>
      %dma_start3A_230 = tpu.memref_squeeze %dma_start3A_229 : memref<1x157x128xi32, #tpu.memory_space<hbm>> -> memref<157x128xi32, #tpu.memory_space<hbm>>
      tpu.enqueue_dma source(%dma_start3A_230 : memref<157x128xi32, #tpu.memory_space<hbm>>) target(%arg10 : memref<157x128xi32, #tpu.memory_space<vmem>>) target_semaphore(%run_scoped3A : memref<!tpu.dma_semaphore, #tpu.memory_space<semaphore_mem>>)
      %dma_wait3A = arith.constant 0 : i32
      %dma_wait3A_231 = arith.constant 0 : i32
      %dma_wait3A_232 = tpu.memref_slice %arg2[%arg1, %dma_wait3A, %dma_wait3A_231] : memref<16x157x128xi32, #tpu.memory_space<hbm>> -> memref<1x157x128xi32, #tpu.memory_space<hbm>>
      %dma_wait3A_233 = tpu.memref_squeeze %dma_wait3A_232 : memref<1x157x128xi32, #tpu.memory_space<hbm>> -> memref<157x128xi32, #tpu.memory_space<hbm>>
      %dma_wait3A_234 = arith.constant 0 : i32
      %dma_wait3A_235 = arith.constant 0 : i32
      %dma_wait3A_236 = tpu.memref_slice %arg2[%arg1, %dma_wait3A_234, %dma_wait3A_235] : memref<16x157x128xi32, #tpu.memory_space<hbm>> -> memref<1x157x128xi32, #tpu.memory_space<hbm>>
      %dma_wait3A_237 = tpu.memref_squeeze %dma_wait3A_236 : memref<1x157x128xi32, #tpu.memory_space<hbm>> -> memref<157x128xi32, #tpu.memory_space<hbm>>
      tpu.wait_dma2 semaphore(%run_scoped3A : memref<!tpu.dma_semaphore, #tpu.memory_space<semaphore_mem>>) src(%dma_wait3A_237 : memref<157x128xi32, #tpu.memory_space<hbm>>) dst(%arg10 : memref<157x128xi32, #tpu.memory_space<vmem>>)
      tpu.yield
    }) : () -> ()
    "tpu.region"() ({
      %run_scoped3A = tpu.sem_alloc : memref<!tpu.dma_semaphore, #tpu.memory_space<semaphore_mem>>
      %dma_start3A = arith.constant 0 : i32
      %dma_start3A_224 = arith.constant 0 : i32
      %dma_start3A_225 = tpu.memref_slice %arg3[%arg1, %dma_start3A, %dma_start3A_224] : memref<16x157x128xi32, #tpu.memory_space<hbm>> -> memref<1x157x128xi32, #tpu.memory_space<hbm>>
      %dma_start3A_226 = tpu.memref_squeeze %dma_start3A_225 : memref<1x157x128xi32, #tpu.memory_space<hbm>> -> memref<157x128xi32, #tpu.memory_space<hbm>>
      %dma_start3A_227 = arith.constant 0 : i32
      %dma_start3A_228 = arith.constant 0 : i32
      %dma_start3A_229 = tpu.memref_slice %arg3[%arg1, %dma_start3A_227, %dma_start3A_228] : memref<16x157x128xi32, #tpu.memory_space<hbm>> -> memref<1x157x128xi32, #tpu.memory_space<hbm>>
      %dma_start3A_230 = tpu.memref_squeeze %dma_start3A_229 : memref<1x157x128xi32, #tpu.memory_space<hbm>> -> memref<157x128xi32, #tpu.memory_space<hbm>>
      tpu.enqueue_dma source(%dma_start3A_230 : memref<157x128xi32, #tpu.memory_space<hbm>>) target(%arg11 : memref<157x128xi32, #tpu.memory_space<vmem>>) target_semaphore(%run_scoped3A : memref<!tpu.dma_semaphore, #tpu.memory_space<semaphore_mem>>)
      %dma_wait3A = arith.constant 0 : i32
      %dma_wait3A_231 = arith.constant 0 : i32
      %dma_wait3A_232 = tpu.memref_slice %arg3[%arg1, %dma_wait3A, %dma_wait3A_231] : memref<16x157x128xi32, #tpu.memory_space<hbm>> -> memref<1x157x128xi32, #tpu.memory_space<hbm>>
      %dma_wait3A_233 = tpu.memref_squeeze %dma_wait3A_232 : memref<1x157x128xi32, #tpu.memory_space<hbm>> -> memref<157x128xi32, #tpu.memory_space<hbm>>
      %dma_wait3A_234 = arith.constant 0 : i32
      %dma_wait3A_235 = arith.constant 0 : i32
      %dma_wait3A_236 = tpu.memref_slice %arg3[%arg1, %dma_wait3A_234, %dma_wait3A_235] : memref<16x157x128xi32, #tpu.memory_space<hbm>> -> memref<1x157x128xi32, #tpu.memory_space<hbm>>
      %dma_wait3A_237 = tpu.memref_squeeze %dma_wait3A_236 : memref<1x157x128xi32, #tpu.memory_space<hbm>> -> memref<157x128xi32, #tpu.memory_space<hbm>>
      tpu.wait_dma2 semaphore(%run_scoped3A : memref<!tpu.dma_semaphore, #tpu.memory_space<semaphore_mem>>) src(%dma_wait3A_237 : memref<157x128xi32, #tpu.memory_space<hbm>>) dst(%arg11 : memref<157x128xi32, #tpu.memory_space<vmem>>)
      tpu.yield
    }) : () -> ()
    "tpu.region"() ({
      %run_scoped3A = tpu.sem_alloc : memref<!tpu.dma_semaphore, #tpu.memory_space<semaphore_mem>>
      tpu.enqueue_dma source(%arg4 : memref<1024xi32, #tpu.memory_space<hbm>>) target(%arg22 : memref<1024xi32, #tpu.memory_space<vmem>>) target_semaphore(%run_scoped3A : memref<!tpu.dma_semaphore, #tpu.memory_space<semaphore_mem>>)
      tpu.wait_dma2 semaphore(%run_scoped3A : memref<!tpu.dma_semaphore, #tpu.memory_space<semaphore_mem>>) src(%arg4 : memref<1024xi32, #tpu.memory_space<hbm>>) dst(%arg22 : memref<1024xi32, #tpu.memory_space<vmem>>)
      tpu.yield
    }) : () -> ()
    "tpu.region"() ({
      %run_scoped3A = tpu.sem_alloc : memref<!tpu.dma_semaphore, #tpu.memory_space<semaphore_mem>>
      tpu.enqueue_dma source(%arg5 : memref<1024xi32, #tpu.memory_space<hbm>>) target(%arg23 : memref<1024xi32, #tpu.memory_space<vmem>>) target_semaphore(%run_scoped3A : memref<!tpu.dma_semaphore, #tpu.memory_space<semaphore_mem>>)
      tpu.wait_dma2 semaphore(%run_scoped3A : memref<!tpu.dma_semaphore, #tpu.memory_space<semaphore_mem>>) src(%arg5 : memref<1024xi32, #tpu.memory_space<hbm>>) dst(%arg23 : memref<1024xi32, #tpu.memory_space<vmem>>)
      tpu.yield
    }) : () -> ()
    "tpu.region"() ({
      %run_scoped3A = tpu.sem_alloc : memref<!tpu.dma_semaphore, #tpu.memory_space<semaphore_mem>>
      tpu.enqueue_dma source(%arg6 : memref<16xf32, #tpu.memory_space<hbm>>) target(%arg24 : memref<16xf32, #tpu.memory_space<vmem>>) target_semaphore(%run_scoped3A : memref<!tpu.dma_semaphore, #tpu.memory_space<semaphore_mem>>)
      tpu.wait_dma2 semaphore(%run_scoped3A : memref<!tpu.dma_semaphore, #tpu.memory_space<semaphore_mem>>) src(%arg6 : memref<16xf32, #tpu.memory_space<hbm>>) dst(%arg24 : memref<16xf32, #tpu.memory_space<vmem>>)
      tpu.yield
    }) : () -> ()
    %get3A = arith.constant 0 : index
    %get3A_4 = tpu.vector_load %arg24[%get3A] {strides = array<i32>} : memref<16xf32, #tpu.memory_space<vmem>>, vector<16xf32>,
    %neg3A = arith.constant 0.000000e+00 : f32
    %neg3A_5 = vector.broadcast %neg3A : f32 to vector<16xf32>
    %neg3A_6 = arith.subf %neg3A_5, %get3A_4 : vector<16xf32>
    %exp3A = math.exp %neg3A_6 : vector<16xf32>
    %add3A = arith.constant 1.000000e+00 : f32
    %add3A_7 = vector.broadcast %add3A : f32 to vector<16xf32>
    %add3A_8 = arith.addf %add3A_7, %exp3A : vector<16xf32>
    %div3A = arith.constant 1.000000e+00 : f32
    %div3A_9 = vector.broadcast %div3A : f32 to vector<16xf32>
    %div3A_10 = arith.divf %div3A_9, %add3A_8 : vector<16xf32>
    %sub3A = arith.constant 1.000000e+00 : f32
    %sub3A_11 = vector.broadcast %sub3A : f32 to vector<16xf32>
    %sub3A_12 = arith.subf %sub3A_11, %div3A_10 : vector<16xf32>
    %scan3A = arith.constant 0 : i32
    %scan3A_13 = arith.constant 0 : i32
    %scan3A_14 = arith.constant 40 : i32
    %scan3A_15 = arith.addi %scan3A_13, %scan3A_14 : i32
    %scan3A_16 = arith.constant 1 : i32
    scf.for %scan3A_224 = %scan3A_13 to %scan3A_15 step %scan3A_16  : i32 {
      %mul3A_225 = arith.constant 16 : i32
      %mul3A_226 = arith.muli %scan3A_224, %mul3A_225 : i32
      %swap3A_227 = arith.index_cast %mul3A_226 : i32 to index
      %swap3A_228 = tpu.vector_load %arg21[%swap3A_227] {strides = array<i32>} : memref<640xf32, #tpu.memory_space<vmem>>, vector<16xf32>,
      tpu.vector_store %arg21[%swap3A_227], %broadcast_in_dim3A_0 {strides = array<i32>} : memref<640xf32, #tpu.memory_space<vmem>>, vector<16xf32>,
    }
    %scan3A_17 = arith.constant 40 : i32
    %scan3A_18 = arith.constant 0 : i32
    %scan3A_19 = arith.constant 0 : i32
    %scan3A_20 = arith.constant 640 : i32
    %scan3A_21 = arith.addi %scan3A_19, %scan3A_20 : i32
    %scan3A_22 = arith.constant 1 : i32
    scf.for %scan3A_224 = %scan3A_19 to %scan3A_21 step %scan3A_22  : i32 {
      %mul3A_225 = arith.constant 16 : i32
      %mul3A_226 = arith.muli %scan3A_224, %mul3A_225 : i32
      %swap3A_227 = arith.index_cast %mul3A_226 : i32 to index
      %swap3A_228 = tpu.vector_load %arg14[%swap3A_227] {strides = array<i32>} : memref<10240xf32, #tpu.memory_space<vmem>>, vector<16xf32>,
      tpu.vector_store %arg14[%swap3A_227], %broadcast_in_dim3A_0 {strides = array<i32>} : memref<10240xf32, #tpu.memory_space<vmem>>, vector<16xf32>,
      %mul3A_229 = arith.constant 16 : i32
      %mul3A_230 = arith.muli %scan3A_224, %mul3A_229 : i32
      %swap3A_231 = arith.index_cast %mul3A_230 : i32 to index
      %swap3A_232 = tpu.vector_load %arg15[%swap3A_231] {strides = array<i32>} : memref<10240xf32, #tpu.memory_space<vmem>>, vector<16xf32>,
      tpu.vector_store %arg15[%swap3A_231], %broadcast_in_dim3A_0 {strides = array<i32>} : memref<10240xf32, #tpu.memory_space<vmem>>, vector<16xf32>,
    }
    %scan3A_23 = arith.constant 640 : i32
    %scan3A_24 = arith.constant 0 : i32
    %scan3A_25 = arith.constant 0 : i32
    %scan3A_26 = arith.constant 64 : i32
    %scan3A_27 = arith.addi %scan3A_25, %scan3A_26 : i32
    %scan3A_28 = arith.constant 1 : i32
    scf.for %scan3A_224 = %scan3A_25 to %scan3A_27 step %scan3A_28  : i32 {
      %mul3A_225 = arith.constant 16 : i32
      %mul3A_226 = arith.muli %scan3A_224, %mul3A_225 : i32
      %get3A_227 = arith.index_cast %mul3A_226 : i32 to index
      %get3A_228 = tpu.vector_load %arg22[%get3A_227] {strides = array<i32>} : memref<1024xi32, #tpu.memory_space<vmem>>, vector<16xi32>,
      tpu.vector_store_idx %arg15[%get3A_228], %broadcast_in_dim3A_2 : memref<10240xf32, #tpu.memory_space<vmem>>[vector<16xi32>], vector<16xf32>,
      %mul3A_229 = arith.constant 16 : i32
      %mul3A_230 = arith.muli %scan3A_224, %mul3A_229 : i32
      %get3A_231 = arith.index_cast %mul3A_230 : i32 to index
      %get3A_232 = tpu.vector_load %arg23[%get3A_231] {strides = array<i32>} : memref<1024xi32, #tpu.memory_space<vmem>>, vector<16xi32>,
      tpu.vector_store_idx %arg14[%get3A_232], %broadcast_in_dim3A_2 : memref<10240xf32, #tpu.memory_space<vmem>>[vector<16xi32>], vector<16xf32>,
    }
    %scan3A_29 = arith.constant 64 : i32
    "tpu.region"() ({
      %run_scoped3A = tpu.sem_alloc : memref<!tpu.dma_semaphore, #tpu.memory_space<semaphore_mem>>
      %dma_start3A = tpu.memref_slice %arg26[%mul3A_3] : memref<10240xf32, #tpu.memory_space<vmem_shared>> -> memref<640xf32, #tpu.memory_space<vmem_shared>>
      %dma_start3A_224 = tpu.memref_slice %arg26[%mul3A_3] : memref<10240xf32, #tpu.memory_space<vmem_shared>> -> memref<640xf32, #tpu.memory_space<vmem_shared>>
      tpu.enqueue_dma source(%arg21 : memref<640xf32, #tpu.memory_space<vmem>>) target(%dma_start3A_224 : memref<640xf32, #tpu.memory_space<vmem_shared>>) target_semaphore(%run_scoped3A : memref<!tpu.dma_semaphore, #tpu.memory_space<semaphore_mem>>)
      %dma_wait3A = tpu.memref_slice %arg26[%mul3A_3] : memref<10240xf32, #tpu.memory_space<vmem_shared>> -> memref<640xf32, #tpu.memory_space<vmem_shared>>
      %dma_wait3A_225 = tpu.memref_slice %arg26[%mul3A_3] : memref<10240xf32, #tpu.memory_space<vmem_shared>> -> memref<640xf32, #tpu.memory_space<vmem_shared>>
      tpu.wait_dma2 semaphore(%run_scoped3A : memref<!tpu.dma_semaphore, #tpu.memory_space<semaphore_mem>>) src(%arg21 : memref<640xf32, #tpu.memory_space<vmem>>) dst(%dma_wait3A_225 : memref<640xf32, #tpu.memory_space<vmem_shared>>)
      tpu.yield
    }) : () -> ()
    "tpu.region"() ({
      %run_scoped3A = tpu.sem_alloc : memref<!tpu.dma_semaphore, #tpu.memory_space<semaphore_mem>>
      %dma_start3A = tpu.memref_slice %arg27[%mul3A_3] : memref<10240xf32, #tpu.memory_space<vmem_shared>> -> memref<640xf32, #tpu.memory_space<vmem_shared>>
      %dma_start3A_224 = tpu.memref_slice %arg27[%mul3A_3] : memref<10240xf32, #tpu.memory_space<vmem_shared>> -> memref<640xf32, #tpu.memory_space<vmem_shared>>
      tpu.enqueue_dma source(%arg21 : memref<640xf32, #tpu.memory_space<vmem>>) target(%dma_start3A_224 : memref<640xf32, #tpu.memory_space<vmem_shared>>) target_semaphore(%run_scoped3A : memref<!tpu.dma_semaphore, #tpu.memory_space<semaphore_mem>>)
      %dma_wait3A = tpu.memref_slice %arg27[%mul3A_3] : memref<10240xf32, #tpu.memory_space<vmem_shared>> -> memref<640xf32, #tpu.memory_space<vmem_shared>>
      %dma_wait3A_225 = tpu.memref_slice %arg27[%mul3A_3] : memref<10240xf32, #tpu.memory_space<vmem_shared>> -> memref<640xf32, #tpu.memory_space<vmem_shared>>
      tpu.wait_dma2 semaphore(%run_scoped3A : memref<!tpu.dma_semaphore, #tpu.memory_space<semaphore_mem>>) src(%arg21 : memref<640xf32, #tpu.memory_space<vmem>>) dst(%dma_wait3A_225 : memref<640xf32, #tpu.memory_space<vmem_shared>>)
      tpu.yield
    }) : () -> ()
    %barrier3A = arith.constant 0 : index
    tpu.barrier barrier_id(%barrier3A)
    %scan3A_30 = arith.constant 0 : i32
    %scan3A_31 = arith.constant 0 : i32
    %scan3A_32 = arith.constant 157 : i32
    %scan3A_33 = arith.addi %scan3A_31, %scan3A_32 : i32
    %scan3A_34 = arith.constant 1 : i32
    scf.for %scan3A_224 = %scan3A_31 to %scan3A_33 step %scan3A_34  : i32 {
      %swap3A_225 = arith.index_cast %scan3A_224 : i32 to index
      %swap3A_226 = arith.constant 0 : index
      %swap3A_227 = tpu.vector_load %arg12[%swap3A_225, %swap3A_226] {strides = array<i32>} : memref<157x128xf32, #tpu.memory_space<vmem>>, vector<16xf32>,
      tpu.vector_store %arg12[%swap3A_225, %swap3A_226], %broadcast_in_dim3A_2 {strides = array<i32>} : memref<157x128xf32, #tpu.memory_space<vmem>>, vector<16xf32>,
      %swap3A_228 = arith.index_cast %scan3A_224 : i32 to index
      %swap3A_229 = arith.constant 16 : index
      %swap3A_230 = tpu.vector_load %arg12[%swap3A_228, %swap3A_229] {strides = array<i32>} : memref<157x128xf32, #tpu.memory_space<vmem>>, vector<16xf32>,
      tpu.vector_store %arg12[%swap3A_228, %swap3A_229], %broadcast_in_dim3A_2 {strides = array<i32>} : memref<157x128xf32, #tpu.memory_space<vmem>>, vector<16xf32>,
      %swap3A_231 = arith.index_cast %scan3A_224 : i32 to index
      %swap3A_232 = arith.constant 32 : index
      %swap3A_233 = tpu.vector_load %arg12[%swap3A_231, %swap3A_232] {strides = array<i32>} : memref<157x128xf32, #tpu.memory_space<vmem>>, vector<16xf32>,
      tpu.vector_store %arg12[%swap3A_231, %swap3A_232], %broadcast_in_dim3A_2 {strides = array<i32>} : memref<157x128xf32, #tpu.memory_space<vmem>>, vector<16xf32>,
      %swap3A_234 = arith.index_cast %scan3A_224 : i32 to index
      %swap3A_235 = arith.constant 48 : index
      %swap3A_236 = tpu.vector_load %arg12[%swap3A_234, %swap3A_235] {strides = array<i32>} : memref<157x128xf32, #tpu.memory_space<vmem>>, vector<16xf32>,
      tpu.vector_store %arg12[%swap3A_234, %swap3A_235], %broadcast_in_dim3A_2 {strides = array<i32>} : memref<157x128xf32, #tpu.memory_space<vmem>>, vector<16xf32>,
      %swap3A_237 = arith.index_cast %scan3A_224 : i32 to index
      %swap3A_238 = arith.constant 64 : index
      %swap3A_239 = tpu.vector_load %arg12[%swap3A_237, %swap3A_238] {strides = array<i32>} : memref<157x128xf32, #tpu.memory_space<vmem>>, vector<16xf32>,
      tpu.vector_store %arg12[%swap3A_237, %swap3A_238], %broadcast_in_dim3A_2 {strides = array<i32>} : memref<157x128xf32, #tpu.memory_space<vmem>>, vector<16xf32>,
      %swap3A_240 = arith.index_cast %scan3A_224 : i32 to index
      %swap3A_241 = arith.constant 80 : index
      %swap3A_242 = tpu.vector_load %arg12[%swap3A_240, %swap3A_241] {strides = array<i32>} : memref<157x128xf32, #tpu.memory_space<vmem>>, vector<16xf32>,
      tpu.vector_store %arg12[%swap3A_240, %swap3A_241], %broadcast_in_dim3A_2 {strides = array<i32>} : memref<157x128xf32, #tpu.memory_space<vmem>>, vector<16xf32>,
      %swap3A_243 = arith.index_cast %scan3A_224 : i32 to index
      %swap3A_244 = arith.constant 96 : index
      %swap3A_245 = tpu.vector_load %arg12[%swap3A_243, %swap3A_244] {strides = array<i32>} : memref<157x128xf32, #tpu.memory_space<vmem>>, vector<16xf32>,
      tpu.vector_store %arg12[%swap3A_243, %swap3A_244], %broadcast_in_dim3A_2 {strides = array<i32>} : memref<157x128xf32, #tpu.memory_space<vmem>>, vector<16xf32>,
      %swap3A_246 = arith.index_cast %scan3A_224 : i32 to index
      %swap3A_247 = arith.constant 112 : index
      %swap3A_248 = tpu.vector_load %arg12[%swap3A_246, %swap3A_247] {strides = array<i32>} : memref<157x128xf32, #tpu.memory_space<vmem>>, vector<16xf32>,
      tpu.vector_store %arg12[%swap3A_246, %swap3A_247], %broadcast_in_dim3A_2 {strides = array<i32>} : memref<157x128xf32, #tpu.memory_space<vmem>>, vector<16xf32>,
    }
    %scan3A_35 = arith.constant 157 : i32
    %scan3A_36 = arith.constant 0 : i32
    %scan3A_37 = arith.constant 0 : i32
    %scan3A_38 = arith.constant 157 : i32
    %scan3A_39 = arith.addi %scan3A_37, %scan3A_38 : i32
    %scan3A_40 = arith.constant 1 : i32
    scf.for %scan3A_224 = %scan3A_37 to %scan3A_39 step %scan3A_40  : i32 {
      "tpu.region"() ({
        %run_scoped3A = tpu.sem_alloc : memref<!tpu.dma_semaphore, #tpu.memory_space<semaphore_mem>>
        %dma_start3A = arith.constant 0 : i32
        %dma_start3A_225 = tpu.memref_slice %arg12[%scan3A_224, %dma_start3A] : memref<157x128xf32, #tpu.memory_space<vmem>> -> memref<1x128xf32, #tpu.memory_space<vmem>>
        %dma_start3A_226 = tpu.memref_squeeze %dma_start3A_225 : memref<1x128xf32, #tpu.memory_space<vmem>> -> memref<128xf32, #tpu.memory_space<vmem>>
        %dma_start3A_227 = arith.constant 0 : i32
        %dma_start3A_228 = tpu.memref_slice %arg10[%scan3A_224, %dma_start3A_227] : memref<157x128xi32, #tpu.memory_space<vmem>> -> memref<1x128xi32, #tpu.memory_space<vmem>>
        %dma_start3A_229 = tpu.memref_squeeze %dma_start3A_228 : memref<1x128xi32, #tpu.memory_space<vmem>> -> memref<128xi32, #tpu.memory_space<vmem>>
        %dma_start3A_230 = arith.constant 0 : i32
        %dma_start3A_231 = tpu.memref_slice %arg26[%dma_start3A_230] : memref<10240xf32, #tpu.memory_space<vmem_shared>> -> memref<10240xf32, #tpu.memory_space<vmem_shared>>
        tpu.enqueue_indirect_dma source(%dma_start3A_226 : memref<128xf32, #tpu.memory_space<vmem>>) target(%dma_start3A_231 : memref<10240xf32, #tpu.memory_space<vmem_shared>>) offsets(%dma_start3A_229 : memref<128xi32, #tpu.memory_space<vmem>>) semaphore(%run_scoped3A : memref<!tpu.dma_semaphore, #tpu.memory_space<semaphore_mem>>) {add = true}
        %dma_wait3A = arith.constant 0 : i32
        %dma_wait3A_232 = tpu.memref_slice %arg12[%scan3A_224, %dma_wait3A] : memref<157x128xf32, #tpu.memory_space<vmem>> -> memref<1x128xf32, #tpu.memory_space<vmem>>
        %dma_wait3A_233 = tpu.memref_squeeze %dma_wait3A_232 : memref<1x128xf32, #tpu.memory_space<vmem>> -> memref<128xf32, #tpu.memory_space<vmem>>
        %dma_wait3A_234 = arith.constant 0 : i32
        %dma_wait3A_235 = tpu.memref_slice %arg10[%scan3A_224, %dma_wait3A_234] : memref<157x128xi32, #tpu.memory_space<vmem>> -> memref<1x128xi32, #tpu.memory_space<vmem>>
        %dma_wait3A_236 = tpu.memref_squeeze %dma_wait3A_235 : memref<1x128xi32, #tpu.memory_space<vmem>> -> memref<128xi32, #tpu.memory_space<vmem>>
        %dma_wait3A_237 = arith.constant 0 : i32
        %dma_wait3A_238 = tpu.memref_slice %arg26[%dma_wait3A_237] : memref<10240xf32, #tpu.memory_space<vmem_shared>> -> memref<10240xf32, #tpu.memory_space<vmem_shared>>
        tpu.wait_indirect_dma semaphore(%run_scoped3A : memref<!tpu.dma_semaphore, #tpu.memory_space<semaphore_mem>>) src(%dma_wait3A_233 : memref<128xf32, #tpu.memory_space<vmem>>) dst(%dma_wait3A_238 : memref<10240xf32, #tpu.memory_space<vmem_shared>>)
        tpu.yield
      }) : () -> ()
    }
    %scan3A_41 = arith.constant 157 : i32
    %barrier3A_42 = arith.constant 0 : index
    tpu.barrier barrier_id(%barrier3A_42)
    "tpu.region"() ({
      %run_scoped3A = tpu.sem_alloc : memref<!tpu.dma_semaphore, #tpu.memory_space<semaphore_mem>>
      %dma_start3A = tpu.memref_slice %arg26[%mul3A_3] : memref<10240xf32, #tpu.memory_space<vmem_shared>> -> memref<640xf32, #tpu.memory_space<vmem_shared>>
      %dma_start3A_224 = tpu.memref_slice %arg26[%mul3A_3] : memref<10240xf32, #tpu.memory_space<vmem_shared>> -> memref<640xf32, #tpu.memory_space<vmem_shared>>
      tpu.enqueue_dma source(%dma_start3A_224 : memref<640xf32, #tpu.memory_space<vmem_shared>>) target(%arg16 : memref<640xf32, #tpu.memory_space<vmem>>) target_semaphore(%run_scoped3A : memref<!tpu.dma_semaphore, #tpu.memory_space<semaphore_mem>>)
      %dma_wait3A = tpu.memref_slice %arg26[%mul3A_3] : memref<10240xf32, #tpu.memory_space<vmem_shared>> -> memref<640xf32, #tpu.memory_space<vmem_shared>>
      %dma_wait3A_225 = tpu.memref_slice %arg26[%mul3A_3] : memref<10240xf32, #tpu.memory_space<vmem_shared>> -> memref<640xf32, #tpu.memory_space<vmem_shared>>
      tpu.wait_dma2 semaphore(%run_scoped3A : memref<!tpu.dma_semaphore, #tpu.memory_space<semaphore_mem>>) src(%dma_wait3A_225 : memref<640xf32, #tpu.memory_space<vmem_shared>>) dst(%arg16 : memref<640xf32, #tpu.memory_space<vmem>>)
      tpu.yield
    }) : () -> ()
    %scan3A_43 = arith.constant 0 : i32
    %scan3A_44 = arith.constant 0 : i32
    %scan3A_45 = arith.constant 40 : i32
    %scan3A_46 = arith.addi %scan3A_44, %scan3A_45 : i32
    %scan3A_47 = arith.constant 1 : i32
    scf.for %scan3A_224 = %scan3A_44 to %scan3A_46 step %scan3A_47  : i32 {
      %mul3A_225 = arith.constant 16 : i32
      %mul3A_226 = arith.muli %scan3A_224, %mul3A_225 : i32
      %get3A_227 = arith.index_cast %mul3A_226 : i32 to index
      %get3A_228 = tpu.vector_load %arg16[%get3A_227] {strides = array<i32>} : memref<640xf32, #tpu.memory_space<vmem>>, vector<16xf32>,
      %max3A_229 = arith.constant 9.99999996E-13 : f32
      %max3A_230 = vector.broadcast %max3A_229 : f32 to vector<16xf32>
      %max3A_231 = arith.maximumf %get3A_228, %max3A_230 : vector<16xf32>
      %div3A_232 = arith.constant 1.000000e+00 : f32
      %div3A_233 = vector.broadcast %div3A_232 : f32 to vector<16xf32>
      %div3A_234 = arith.divf %div3A_233, %max3A_231 : vector<16xf32>
      %mul3A_235 = arith.constant 16 : i32
      %mul3A_236 = arith.muli %scan3A_224, %mul3A_235 : i32
      %swap3A_237 = arith.index_cast %mul3A_236 : i32 to index
      %swap3A_238 = tpu.vector_load %arg20[%swap3A_237] {strides = array<i32>} : memref<640xf32, #tpu.memory_space<vmem>>, vector<16xf32>,
      tpu.vector_store %arg20[%swap3A_237], %div3A_234 {strides = array<i32>} : memref<640xf32, #tpu.memory_space<vmem>>, vector<16xf32>,
    }
    %scan3A_48 = arith.constant 40 : i32
    "tpu.region"() ({
      %run_scoped3A = tpu.sem_alloc : memref<!tpu.dma_semaphore, #tpu.memory_space<semaphore_mem>>
      %dma_start3A = tpu.memref_slice %arg26[%mul3A_3] : memref<10240xf32, #tpu.memory_space<vmem_shared>> -> memref<640xf32, #tpu.memory_space<vmem_shared>>
      %dma_start3A_224 = tpu.memref_slice %arg26[%mul3A_3] : memref<10240xf32, #tpu.memory_space<vmem_shared>> -> memref<640xf32, #tpu.memory_space<vmem_shared>>
      tpu.enqueue_dma source(%arg21 : memref<640xf32, #tpu.memory_space<vmem>>) target(%dma_start3A_224 : memref<640xf32, #tpu.memory_space<vmem_shared>>) target_semaphore(%run_scoped3A : memref<!tpu.dma_semaphore, #tpu.memory_space<semaphore_mem>>)
      %dma_wait3A = tpu.memref_slice %arg26[%mul3A_3] : memref<10240xf32, #tpu.memory_space<vmem_shared>> -> memref<640xf32, #tpu.memory_space<vmem_shared>>
      %dma_wait3A_225 = tpu.memref_slice %arg26[%mul3A_3] : memref<10240xf32, #tpu.memory_space<vmem_shared>> -> memref<640xf32, #tpu.memory_space<vmem_shared>>
      tpu.wait_dma2 semaphore(%run_scoped3A : memref<!tpu.dma_semaphore, #tpu.memory_space<semaphore_mem>>) src(%arg21 : memref<640xf32, #tpu.memory_space<vmem>>) dst(%dma_wait3A_225 : memref<640xf32, #tpu.memory_space<vmem_shared>>)
      tpu.yield
    }) : () -> ()
    %barrier3A_49 = arith.constant 0 : index
    tpu.barrier barrier_id(%barrier3A_49)
    %scan3A_50 = arith.constant 0 : i32
    %scan3A_51 = arith.constant 0 : i32
    %scan3A_52 = arith.constant 5 : i32
    %scan3A_53 = arith.addi %scan3A_51, %scan3A_52 : i32
    %scan3A_54 = arith.constant 1 : i32
    scf.for %scan3A_224 = %scan3A_51 to %scan3A_53 step %scan3A_54  : i32 {
      %scan3A_225 = arith.constant 0 : i32
      %scan3A_226 = arith.constant 0 : i32
      %scan3A_227 = arith.constant 157 : i32
      %scan3A_228 = arith.addi %scan3A_226, %scan3A_227 : i32
      %scan3A_229 = arith.constant 1 : i32
      scf.for %scan3A_245 = %scan3A_226 to %scan3A_228 step %scan3A_229  : i32 {
        %get3A_246 = arith.index_cast %scan3A_245 : i32 to index
        %get3A_247 = arith.constant 0 : index
        %get3A_248 = tpu.vector_load %arg11[%get3A_246, %get3A_247] {strides = array<i32>} : memref<157x128xi32, #tpu.memory_space<vmem>>, vector<16xi32>,
        %gather3A_249 = tpu.vector_load_idx %arg14[%get3A_248] : memref<10240xf32, #tpu.memory_space<vmem>>[vector<16xi32>], vector<16xf32>,
        %swap3A_250 = arith.index_cast %scan3A_245 : i32 to index
        %swap3A_251 = arith.constant 0 : index
        %swap3A_252 = tpu.vector_load %arg12[%swap3A_250, %swap3A_251] {strides = array<i32>} : memref<157x128xf32, #tpu.memory_space<vmem>>, vector<16xf32>,
        tpu.vector_store %arg12[%swap3A_250, %swap3A_251], %gather3A_249 {strides = array<i32>} : memref<157x128xf32, #tpu.memory_space<vmem>>, vector<16xf32>,
        %gather3A_253 = tpu.vector_load_idx %arg15[%get3A_248] : memref<10240xf32, #tpu.memory_space<vmem>>[vector<16xi32>], vector<16xf32>,
        %swap3A_254 = arith.index_cast %scan3A_245 : i32 to index
        %swap3A_255 = arith.constant 0 : index
        %swap3A_256 = tpu.vector_load %arg13[%swap3A_254, %swap3A_255] {strides = array<i32>} : memref<157x128xf32, #tpu.memory_space<vmem>>, vector<16xf32>,
        tpu.vector_store %arg13[%swap3A_254, %swap3A_255], %gather3A_253 {strides = array<i32>} : memref<157x128xf32, #tpu.memory_space<vmem>>, vector<16xf32>,
        %get3A_257 = arith.index_cast %scan3A_245 : i32 to index
        %get3A_258 = arith.constant 16 : index
        %get3A_259 = tpu.vector_load %arg11[%get3A_257, %get3A_258] {strides = array<i32>} : memref<157x128xi32, #tpu.memory_space<vmem>>, vector<16xi32>,
        %gather3A_260 = tpu.vector_load_idx %arg14[%get3A_259] : memref<10240xf32, #tpu.memory_space<vmem>>[vector<16xi32>], vector<16xf32>,
        %swap3A_261 = arith.index_cast %scan3A_245 : i32 to index
        %swap3A_262 = arith.constant 16 : index
        %swap3A_263 = tpu.vector_load %arg12[%swap3A_261, %swap3A_262] {strides = array<i32>} : memref<157x128xf32, #tpu.memory_space<vmem>>, vector<16xf32>,
        tpu.vector_store %arg12[%swap3A_261, %swap3A_262], %gather3A_260 {strides = array<i32>} : memref<157x128xf32, #tpu.memory_space<vmem>>, vector<16xf32>,
        %gather3A_264 = tpu.vector_load_idx %arg15[%get3A_259] : memref<10240xf32, #tpu.memory_space<vmem>>[vector<16xi32>], vector<16xf32>,
        %swap3A_265 = arith.index_cast %scan3A_245 : i32 to index
        %swap3A_266 = arith.constant 16 : index
        %swap3A_267 = tpu.vector_load %arg13[%swap3A_265, %swap3A_266] {strides = array<i32>} : memref<157x128xf32, #tpu.memory_space<vmem>>, vector<16xf32>,
        tpu.vector_store %arg13[%swap3A_265, %swap3A_266], %gather3A_264 {strides = array<i32>} : memref<157x128xf32, #tpu.memory_space<vmem>>, vector<16xf32>,
        %get3A_268 = arith.index_cast %scan3A_245 : i32 to index
        %get3A_269 = arith.constant 32 : index
        %get3A_270 = tpu.vector_load %arg11[%get3A_268, %get3A_269] {strides = array<i32>} : memref<157x128xi32, #tpu.memory_space<vmem>>, vector<16xi32>,
        %gather3A_271 = tpu.vector_load_idx %arg14[%get3A_270] : memref<10240xf32, #tpu.memory_space<vmem>>[vector<16xi32>], vector<16xf32>,
        %swap3A_272 = arith.index_cast %scan3A_245 : i32 to index
        %swap3A_273 = arith.constant 32 : index
        %swap3A_274 = tpu.vector_load %arg12[%swap3A_272, %swap3A_273] {strides = array<i32>} : memref<157x128xf32, #tpu.memory_space<vmem>>, vector<16xf32>,
        tpu.vector_store %arg12[%swap3A_272, %swap3A_273], %gather3A_271 {strides = array<i32>} : memref<157x128xf32, #tpu.memory_space<vmem>>, vector<16xf32>,
        %gather3A_275 = tpu.vector_load_idx %arg15[%get3A_270] : memref<10240xf32, #tpu.memory_space<vmem>>[vector<16xi32>], vector<16xf32>,
        %swap3A_276 = arith.index_cast %scan3A_245 : i32 to index
        %swap3A_277 = arith.constant 32 : index
        %swap3A_278 = tpu.vector_load %arg13[%swap3A_276, %swap3A_277] {strides = array<i32>} : memref<157x128xf32, #tpu.memory_space<vmem>>, vector<16xf32>,
        tpu.vector_store %arg13[%swap3A_276, %swap3A_277], %gather3A_275 {strides = array<i32>} : memref<157x128xf32, #tpu.memory_space<vmem>>, vector<16xf32>,
        %get3A_279 = arith.index_cast %scan3A_245 : i32 to index
        %get3A_280 = arith.constant 48 : index
        %get3A_281 = tpu.vector_load %arg11[%get3A_279, %get3A_280] {strides = array<i32>} : memref<157x128xi32, #tpu.memory_space<vmem>>, vector<16xi32>,
        %gather3A_282 = tpu.vector_load_idx %arg14[%get3A_281] : memref<10240xf32, #tpu.memory_space<vmem>>[vector<16xi32>], vector<16xf32>,
        %swap3A_283 = arith.index_cast %scan3A_245 : i32 to index
        %swap3A_284 = arith.constant 48 : index
        %swap3A_285 = tpu.vector_load %arg12[%swap3A_283, %swap3A_284] {strides = array<i32>} : memref<157x128xf32, #tpu.memory_space<vmem>>, vector<16xf32>,
        tpu.vector_store %arg12[%swap3A_283, %swap3A_284], %gather3A_282 {strides = array<i32>} : memref<157x128xf32, #tpu.memory_space<vmem>>, vector<16xf32>,
        %gather3A_286 = tpu.vector_load_idx %arg15[%get3A_281] : memref<10240xf32, #tpu.memory_space<vmem>>[vector<16xi32>], vector<16xf32>,
        %swap3A_287 = arith.index_cast %scan3A_245 : i32 to index
        %swap3A_288 = arith.constant 48 : index
        %swap3A_289 = tpu.vector_load %arg13[%swap3A_287, %swap3A_288] {strides = array<i32>} : memref<157x128xf32, #tpu.memory_space<vmem>>, vector<16xf32>,
        tpu.vector_store %arg13[%swap3A_287, %swap3A_288], %gather3A_286 {strides = array<i32>} : memref<157x128xf32, #tpu.memory_space<vmem>>, vector<16xf32>,
        %get3A_290 = arith.index_cast %scan3A_245 : i32 to index
        %get3A_291 = arith.constant 64 : index
        %get3A_292 = tpu.vector_load %arg11[%get3A_290, %get3A_291] {strides = array<i32>} : memref<157x128xi32, #tpu.memory_space<vmem>>, vector<16xi32>,
        %gather3A_293 = tpu.vector_load_idx %arg14[%get3A_292] : memref<10240xf32, #tpu.memory_space<vmem>>[vector<16xi32>], vector<16xf32>,
        %swap3A_294 = arith.index_cast %scan3A_245 : i32 to index
        %swap3A_295 = arith.constant 64 : index
        %swap3A_296 = tpu.vector_load %arg12[%swap3A_294, %swap3A_295] {strides = array<i32>} : memref<157x128xf32, #tpu.memory_space<vmem>>, vector<16xf32>,
        tpu.vector_store %arg12[%swap3A_294, %swap3A_295], %gather3A_293 {strides = array<i32>} : memref<157x128xf32, #tpu.memory_space<vmem>>, vector<16xf32>,
        %gather3A_297 = tpu.vector_load_idx %arg15[%get3A_292] : memref<10240xf32, #tpu.memory_space<vmem>>[vector<16xi32>], vector<16xf32>,
        %swap3A_298 = arith.index_cast %scan3A_245 : i32 to index
        %swap3A_299 = arith.constant 64 : index
        %swap3A_300 = tpu.vector_load %arg13[%swap3A_298, %swap3A_299] {strides = array<i32>} : memref<157x128xf32, #tpu.memory_space<vmem>>, vector<16xf32>,
        tpu.vector_store %arg13[%swap3A_298, %swap3A_299], %gather3A_297 {strides = array<i32>} : memref<157x128xf32, #tpu.memory_space<vmem>>, vector<16xf32>,
        %get3A_301 = arith.index_cast %scan3A_245 : i32 to index
        %get3A_302 = arith.constant 80 : index
        %get3A_303 = tpu.vector_load %arg11[%get3A_301, %get3A_302] {strides = array<i32>} : memref<157x128xi32, #tpu.memory_space<vmem>>, vector<16xi32>,
        %gather3A_304 = tpu.vector_load_idx %arg14[%get3A_303] : memref<10240xf32, #tpu.memory_space<vmem>>[vector<16xi32>], vector<16xf32>,
        %swap3A_305 = arith.index_cast %scan3A_245 : i32 to index
        %swap3A_306 = arith.constant 80 : index
        %swap3A_307 = tpu.vector_load %arg12[%swap3A_305, %swap3A_306] {strides = array<i32>} : memref<157x128xf32, #tpu.memory_space<vmem>>, vector<16xf32>,
        tpu.vector_store %arg12[%swap3A_305, %swap3A_306], %gather3A_304 {strides = array<i32>} : memref<157x128xf32, #tpu.memory_space<vmem>>, vector<16xf32>,
        %gather3A_308 = tpu.vector_load_idx %arg15[%get3A_303] : memref<10240xf32, #tpu.memory_space<vmem>>[vector<16xi32>], vector<16xf32>,
        %swap3A_309 = arith.index_cast %scan3A_245 : i32 to index
        %swap3A_310 = arith.constant 80 : index
        %swap3A_311 = tpu.vector_load %arg13[%swap3A_309, %swap3A_310] {strides = array<i32>} : memref<157x128xf32, #tpu.memory_space<vmem>>, vector<16xf32>,
        tpu.vector_store %arg13[%swap3A_309, %swap3A_310], %gather3A_308 {strides = array<i32>} : memref<157x128xf32, #tpu.memory_space<vmem>>, vector<16xf32>,
        %get3A_312 = arith.index_cast %scan3A_245 : i32 to index
        %get3A_313 = arith.constant 96 : index
        %get3A_314 = tpu.vector_load %arg11[%get3A_312, %get3A_313] {strides = array<i32>} : memref<157x128xi32, #tpu.memory_space<vmem>>, vector<16xi32>,
        %gather3A_315 = tpu.vector_load_idx %arg14[%get3A_314] : memref<10240xf32, #tpu.memory_space<vmem>>[vector<16xi32>], vector<16xf32>,
        %swap3A_316 = arith.index_cast %scan3A_245 : i32 to index
        %swap3A_317 = arith.constant 96 : index
        %swap3A_318 = tpu.vector_load %arg12[%swap3A_316, %swap3A_317] {strides = array<i32>} : memref<157x128xf32, #tpu.memory_space<vmem>>, vector<16xf32>,
        tpu.vector_store %arg12[%swap3A_316, %swap3A_317], %gather3A_315 {strides = array<i32>} : memref<157x128xf32, #tpu.memory_space<vmem>>, vector<16xf32>,
        %gather3A_319 = tpu.vector_load_idx %arg15[%get3A_314] : memref<10240xf32, #tpu.memory_space<vmem>>[vector<16xi32>], vector<16xf32>,
        %swap3A_320 = arith.index_cast %scan3A_245 : i32 to index
        %swap3A_321 = arith.constant 96 : index
        %swap3A_322 = tpu.vector_load %arg13[%swap3A_320, %swap3A_321] {strides = array<i32>} : memref<157x128xf32, #tpu.memory_space<vmem>>, vector<16xf32>,
        tpu.vector_store %arg13[%swap3A_320, %swap3A_321], %gather3A_319 {strides = array<i32>} : memref<157x128xf32, #tpu.memory_space<vmem>>, vector<16xf32>,
        %get3A_323 = arith.index_cast %scan3A_245 : i32 to index
        %get3A_324 = arith.constant 112 : index
        %get3A_325 = tpu.vector_load %arg11[%get3A_323, %get3A_324] {strides = array<i32>} : memref<157x128xi32, #tpu.memory_space<vmem>>, vector<16xi32>,
        %gather3A_326 = tpu.vector_load_idx %arg14[%get3A_325] : memref<10240xf32, #tpu.memory_space<vmem>>[vector<16xi32>], vector<16xf32>,
        %swap3A_327 = arith.index_cast %scan3A_245 : i32 to index
        %swap3A_328 = arith.constant 112 : index
        %swap3A_329 = tpu.vector_load %arg12[%swap3A_327, %swap3A_328] {strides = array<i32>} : memref<157x128xf32, #tpu.memory_space<vmem>>, vector<16xf32>,
        tpu.vector_store %arg12[%swap3A_327, %swap3A_328], %gather3A_326 {strides = array<i32>} : memref<157x128xf32, #tpu.memory_space<vmem>>, vector<16xf32>,
        %gather3A_330 = tpu.vector_load_idx %arg15[%get3A_325] : memref<10240xf32, #tpu.memory_space<vmem>>[vector<16xi32>], vector<16xf32>,
        %swap3A_331 = arith.index_cast %scan3A_245 : i32 to index
        %swap3A_332 = arith.constant 112 : index
        %swap3A_333 = tpu.vector_load %arg13[%swap3A_331, %swap3A_332] {strides = array<i32>} : memref<157x128xf32, #tpu.memory_space<vmem>>, vector<16xf32>,
        tpu.vector_store %arg13[%swap3A_331, %swap3A_332], %gather3A_330 {strides = array<i32>} : memref<157x128xf32, #tpu.memory_space<vmem>>, vector<16xf32>,
      }
      %scan3A_230 = arith.constant 157 : i32
      %scan3A_231 = arith.constant 0 : i32
      %scan3A_232 = arith.constant 0 : i32
      %scan3A_233 = arith.constant 157 : i32
      %scan3A_234 = arith.addi %scan3A_232, %scan3A_233 : i32
      %scan3A_235 = arith.constant 1 : i32
      scf.for %scan3A_245 = %scan3A_232 to %scan3A_234 step %scan3A_235  : i32 {
        "tpu.region"() ({
          %run_scoped3A = tpu.sem_alloc : memref<!tpu.dma_semaphore, #tpu.memory_space<semaphore_mem>>
          %dma_start3A = arith.constant 0 : i32
          %dma_start3A_246 = tpu.memref_slice %arg12[%scan3A_245, %dma_start3A] : memref<157x128xf32, #tpu.memory_space<vmem>> -> memref<1x128xf32, #tpu.memory_space<vmem>>
          %dma_start3A_247 = tpu.memref_squeeze %dma_start3A_246 : memref<1x128xf32, #tpu.memory_space<vmem>> -> memref<128xf32, #tpu.memory_space<vmem>>
          %dma_start3A_248 = arith.constant 0 : i32
          %dma_start3A_249 = tpu.memref_slice %arg10[%scan3A_245, %dma_start3A_248] : memref<157x128xi32, #tpu.memory_space<vmem>> -> memref<1x128xi32, #tpu.memory_space<vmem>>
          %dma_start3A_250 = tpu.memref_squeeze %dma_start3A_249 : memref<1x128xi32, #tpu.memory_space<vmem>> -> memref<128xi32, #tpu.memory_space<vmem>>
          %dma_start3A_251 = arith.constant 0 : i32
          %dma_start3A_252 = tpu.memref_slice %arg26[%dma_start3A_251] : memref<10240xf32, #tpu.memory_space<vmem_shared>> -> memref<10240xf32, #tpu.memory_space<vmem_shared>>
          tpu.enqueue_indirect_dma source(%dma_start3A_247 : memref<128xf32, #tpu.memory_space<vmem>>) target(%dma_start3A_252 : memref<10240xf32, #tpu.memory_space<vmem_shared>>) offsets(%dma_start3A_250 : memref<128xi32, #tpu.memory_space<vmem>>) semaphore(%run_scoped3A : memref<!tpu.dma_semaphore, #tpu.memory_space<semaphore_mem>>) {add = true}
          %dma_wait3A = arith.constant 0 : i32
          %dma_wait3A_253 = tpu.memref_slice %arg12[%scan3A_245, %dma_wait3A] : memref<157x128xf32, #tpu.memory_space<vmem>> -> memref<1x128xf32, #tpu.memory_space<vmem>>
          %dma_wait3A_254 = tpu.memref_squeeze %dma_wait3A_253 : memref<1x128xf32, #tpu.memory_space<vmem>> -> memref<128xf32, #tpu.memory_space<vmem>>
          %dma_wait3A_255 = arith.constant 0 : i32
          %dma_wait3A_256 = tpu.memref_slice %arg10[%scan3A_245, %dma_wait3A_255] : memref<157x128xi32, #tpu.memory_space<vmem>> -> memref<1x128xi32, #tpu.memory_space<vmem>>
          %dma_wait3A_257 = tpu.memref_squeeze %dma_wait3A_256 : memref<1x128xi32, #tpu.memory_space<vmem>> -> memref<128xi32, #tpu.memory_space<vmem>>
          %dma_wait3A_258 = arith.constant 0 : i32
          %dma_wait3A_259 = tpu.memref_slice %arg26[%dma_wait3A_258] : memref<10240xf32, #tpu.memory_space<vmem_shared>> -> memref<10240xf32, #tpu.memory_space<vmem_shared>>
          tpu.wait_indirect_dma semaphore(%run_scoped3A : memref<!tpu.dma_semaphore, #tpu.memory_space<semaphore_mem>>) src(%dma_wait3A_254 : memref<128xf32, #tpu.memory_space<vmem>>) dst(%dma_wait3A_259 : memref<10240xf32, #tpu.memory_space<vmem_shared>>)
          tpu.yield
        }) : () -> ()
        "tpu.region"() ({
          %run_scoped3A = tpu.sem_alloc : memref<!tpu.dma_semaphore, #tpu.memory_space<semaphore_mem>>
          %dma_start3A = arith.constant 0 : i32
          %dma_start3A_246 = tpu.memref_slice %arg13[%scan3A_245, %dma_start3A] : memref<157x128xf32, #tpu.memory_space<vmem>> -> memref<1x128xf32, #tpu.memory_space<vmem>>
          %dma_start3A_247 = tpu.memref_squeeze %dma_start3A_246 : memref<1x128xf32, #tpu.memory_space<vmem>> -> memref<128xf32, #tpu.memory_space<vmem>>
          %dma_start3A_248 = arith.constant 0 : i32
          %dma_start3A_249 = tpu.memref_slice %arg10[%scan3A_245, %dma_start3A_248] : memref<157x128xi32, #tpu.memory_space<vmem>> -> memref<1x128xi32, #tpu.memory_space<vmem>>
          %dma_start3A_250 = tpu.memref_squeeze %dma_start3A_249 : memref<1x128xi32, #tpu.memory_space<vmem>> -> memref<128xi32, #tpu.memory_space<vmem>>
          %dma_start3A_251 = arith.constant 0 : i32
          %dma_start3A_252 = tpu.memref_slice %arg27[%dma_start3A_251] : memref<10240xf32, #tpu.memory_space<vmem_shared>> -> memref<10240xf32, #tpu.memory_space<vmem_shared>>
          tpu.enqueue_indirect_dma source(%dma_start3A_247 : memref<128xf32, #tpu.memory_space<vmem>>) target(%dma_start3A_252 : memref<10240xf32, #tpu.memory_space<vmem_shared>>) offsets(%dma_start3A_250 : memref<128xi32, #tpu.memory_space<vmem>>) semaphore(%run_scoped3A : memref<!tpu.dma_semaphore, #tpu.memory_space<semaphore_mem>>) {add = true}
          %dma_wait3A = arith.constant 0 : i32
          %dma_wait3A_253 = tpu.memref_slice %arg13[%scan3A_245, %dma_wait3A] : memref<157x128xf32, #tpu.memory_space<vmem>> -> memref<1x128xf32, #tpu.memory_space<vmem>>
          %dma_wait3A_254 = tpu.memref_squeeze %dma_wait3A_253 : memref<1x128xf32, #tpu.memory_space<vmem>> -> memref<128xf32, #tpu.memory_space<vmem>>
          %dma_wait3A_255 = arith.constant 0 : i32
          %dma_wait3A_256 = tpu.memref_slice %arg10[%scan3A_245, %dma_wait3A_255] : memref<157x128xi32, #tpu.memory_space<vmem>> -> memref<1x128xi32, #tpu.memory_space<vmem>>
          %dma_wait3A_257 = tpu.memref_squeeze %dma_wait3A_256 : memref<1x128xi32, #tpu.memory_space<vmem>> -> memref<128xi32, #tpu.memory_space<vmem>>
          %dma_wait3A_258 = arith.constant 0 : i32
          %dma_wait3A_259 = tpu.memref_slice %arg27[%dma_wait3A_258] : memref<10240xf32, #tpu.memory_space<vmem_shared>> -> memref<10240xf32, #tpu.memory_space<vmem_shared>>
          tpu.wait_indirect_dma semaphore(%run_scoped3A : memref<!tpu.dma_semaphore, #tpu.memory_space<semaphore_mem>>) src(%dma_wait3A_254 : memref<128xf32, #tpu.memory_space<vmem>>) dst(%dma_wait3A_259 : memref<10240xf32, #tpu.memory_space<vmem_shared>>)
          tpu.yield
        }) : () -> ()
      }
      %scan3A_236 = arith.constant 157 : i32
      %barrier3A_237 = arith.constant 0 : index
      tpu.barrier barrier_id(%barrier3A_237)
      "tpu.region"() ({
        %run_scoped3A = tpu.sem_alloc : memref<!tpu.dma_semaphore, #tpu.memory_space<semaphore_mem>>
        %dma_start3A = tpu.memref_slice %arg26[%mul3A_3] : memref<10240xf32, #tpu.memory_space<vmem_shared>> -> memref<640xf32, #tpu.memory_space<vmem_shared>>
        %dma_start3A_245 = tpu.memref_slice %arg26[%mul3A_3] : memref<10240xf32, #tpu.memory_space<vmem_shared>> -> memref<640xf32, #tpu.memory_space<vmem_shared>>
        tpu.enqueue_dma source(%dma_start3A_245 : memref<640xf32, #tpu.memory_space<vmem_shared>>) target(%arg16 : memref<640xf32, #tpu.memory_space<vmem>>) target_semaphore(%run_scoped3A : memref<!tpu.dma_semaphore, #tpu.memory_space<semaphore_mem>>)
        %dma_wait3A = tpu.memref_slice %arg26[%mul3A_3] : memref<10240xf32, #tpu.memory_space<vmem_shared>> -> memref<640xf32, #tpu.memory_space<vmem_shared>>
        %dma_wait3A_246 = tpu.memref_slice %arg26[%mul3A_3] : memref<10240xf32, #tpu.memory_space<vmem_shared>> -> memref<640xf32, #tpu.memory_space<vmem_shared>>
        tpu.wait_dma2 semaphore(%run_scoped3A : memref<!tpu.dma_semaphore, #tpu.memory_space<semaphore_mem>>) src(%dma_wait3A_246 : memref<640xf32, #tpu.memory_space<vmem_shared>>) dst(%arg16 : memref<640xf32, #tpu.memory_space<vmem>>)
        tpu.yield
      }) : () -> ()
      "tpu.region"() ({
        %run_scoped3A = tpu.sem_alloc : memref<!tpu.dma_semaphore, #tpu.memory_space<semaphore_mem>>
        %dma_start3A = tpu.memref_slice %arg27[%mul3A_3] : memref<10240xf32, #tpu.memory_space<vmem_shared>> -> memref<640xf32, #tpu.memory_space<vmem_shared>>
        %dma_start3A_245 = tpu.memref_slice %arg27[%mul3A_3] : memref<10240xf32, #tpu.memory_space<vmem_shared>> -> memref<640xf32, #tpu.memory_space<vmem_shared>>
        tpu.enqueue_dma source(%dma_start3A_245 : memref<640xf32, #tpu.memory_space<vmem_shared>>) target(%arg17 : memref<640xf32, #tpu.memory_space<vmem>>) target_semaphore(%run_scoped3A : memref<!tpu.dma_semaphore, #tpu.memory_space<semaphore_mem>>)
        %dma_wait3A = tpu.memref_slice %arg27[%mul3A_3] : memref<10240xf32, #tpu.memory_space<vmem_shared>> -> memref<640xf32, #tpu.memory_space<vmem_shared>>
        %dma_wait3A_246 = tpu.memref_slice %arg27[%mul3A_3] : memref<10240xf32, #tpu.memory_space<vmem_shared>> -> memref<640xf32, #tpu.memory_space<vmem_shared>>
        tpu.wait_dma2 semaphore(%run_scoped3A : memref<!tpu.dma_semaphore, #tpu.memory_space<semaphore_mem>>) src(%dma_wait3A_246 : memref<640xf32, #tpu.memory_space<vmem_shared>>) dst(%arg17 : memref<640xf32, #tpu.memory_space<vmem>>)
        tpu.yield
      }) : () -> ()
      %scan3A_238 = arith.constant 0 : i32
      %scan3A_239 = arith.constant 0 : i32
      %scan3A_240 = arith.constant 40 : i32
      %scan3A_241 = arith.addi %scan3A_239, %scan3A_240 : i32
      %scan3A_242 = arith.constant 1 : i32
      scf.for %scan3A_245 = %scan3A_239 to %scan3A_241 step %scan3A_242  : i32 {
        %mul3A_246 = arith.constant 16 : i32
        %mul3A_247 = arith.muli %scan3A_245, %mul3A_246 : i32
        %get3A_248 = arith.index_cast %mul3A_247 : i32 to index
        %get3A_249 = tpu.vector_load %arg16[%get3A_248] {strides = array<i32>} : memref<640xf32, #tpu.memory_space<vmem>>, vector<16xf32>,
        %get3A_250 = arith.index_cast %mul3A_247 : i32 to index
        %get3A_251 = tpu.vector_load %arg17[%get3A_250] {strides = array<i32>} : memref<640xf32, #tpu.memory_space<vmem>>, vector<16xf32>,
        %get3A_252 = arith.index_cast %mul3A_247 : i32 to index
        %get3A_253 = tpu.vector_load %arg20[%get3A_252] {strides = array<i32>} : memref<640xf32, #tpu.memory_space<vmem>>, vector<16xf32>,
        %mul3A_254 = arith.constant 16 : i32
        %mul3A_255 = arith.muli %scan3A_245, %mul3A_254 : i32
        %add3A_256 = arith.addi %mul3A_3, %mul3A_255 : i32
        %get3A_257 = arith.index_cast %add3A_256 : i32 to index
        %get3A_258 = tpu.vector_load %arg14[%get3A_257] {strides = array<i32>} : memref<10240xf32, #tpu.memory_space<vmem>>, vector<16xf32>,
        %mul3A_259 = arith.constant 16 : i32
        %mul3A_260 = arith.muli %scan3A_245, %mul3A_259 : i32
        %add3A_261 = arith.addi %mul3A_3, %mul3A_260 : i32
        %get3A_262 = arith.index_cast %add3A_261 : i32 to index
        %get3A_263 = tpu.vector_load %arg15[%get3A_262] {strides = array<i32>} : memref<10240xf32, #tpu.memory_space<vmem>>, vector<16xf32>,
        %mul3A_264 = arith.mulf %div3A_10, %get3A_258 : vector<16xf32>
        %mul3A_265 = arith.mulf %get3A_249, %get3A_253 : vector<16xf32>
        %mul3A_266 = arith.mulf %sub3A_12, %mul3A_265 : vector<16xf32>
        %add3A_267 = arith.addf %mul3A_264, %mul3A_266 : vector<16xf32>
        %swap3A_268 = arith.index_cast %mul3A_247 : i32 to index
        %swap3A_269 = tpu.vector_load %arg18[%swap3A_268] {strides = array<i32>} : memref<640xf32, #tpu.memory_space<vmem>>, vector<16xf32>,
        tpu.vector_store %arg18[%swap3A_268], %add3A_267 {strides = array<i32>} : memref<640xf32, #tpu.memory_space<vmem>>, vector<16xf32>,
        %mul3A_270 = arith.mulf %div3A_10, %get3A_263 : vector<16xf32>
        %mul3A_271 = arith.mulf %get3A_251, %get3A_253 : vector<16xf32>
        %mul3A_272 = arith.mulf %sub3A_12, %mul3A_271 : vector<16xf32>
        %add3A_273 = arith.addf %mul3A_270, %mul3A_272 : vector<16xf32>
        %swap3A_274 = arith.index_cast %mul3A_247 : i32 to index
        %swap3A_275 = tpu.vector_load %arg19[%swap3A_274] {strides = array<i32>} : memref<640xf32, #tpu.memory_space<vmem>>, vector<16xf32>,
        tpu.vector_store %arg19[%swap3A_274], %add3A_273 {strides = array<i32>} : memref<640xf32, #tpu.memory_space<vmem>>, vector<16xf32>,
      }
      %scan3A_243 = arith.constant 40 : i32
      "tpu.region"() ({
        %run_scoped3A = tpu.sem_alloc : memref<!tpu.dma_semaphore, #tpu.memory_space<semaphore_mem>>
        %dma_start3A = tpu.memref_slice %arg26[%mul3A_3] : memref<10240xf32, #tpu.memory_space<vmem_shared>> -> memref<640xf32, #tpu.memory_space<vmem_shared>>
        %dma_start3A_245 = tpu.memref_slice %arg26[%mul3A_3] : memref<10240xf32, #tpu.memory_space<vmem_shared>> -> memref<640xf32, #tpu.memory_space<vmem_shared>>
        tpu.enqueue_dma source(%arg21 : memref<640xf32, #tpu.memory_space<vmem>>) target(%dma_start3A_245 : memref<640xf32, #tpu.memory_space<vmem_shared>>) target_semaphore(%run_scoped3A : memref<!tpu.dma_semaphore, #tpu.memory_space<semaphore_mem>>)
        %dma_wait3A = tpu.memref_slice %arg26[%mul3A_3] : memref<10240xf32, #tpu.memory_space<vmem_shared>> -> memref<640xf32, #tpu.memory_space<vmem_shared>>
        %dma_wait3A_246 = tpu.memref_slice %arg26[%mul3A_3] : memref<10240xf32, #tpu.memory_space<vmem_shared>> -> memref<640xf32, #tpu.memory_space<vmem_shared>>
        tpu.wait_dma2 semaphore(%run_scoped3A : memref<!tpu.dma_semaphore, #tpu.memory_space<semaphore_mem>>) src(%arg21 : memref<640xf32, #tpu.memory_space<vmem>>) dst(%dma_wait3A_246 : memref<640xf32, #tpu.memory_space<vmem_shared>>)
        tpu.yield
      }) : () -> ()
      "tpu.region"() ({
        %run_scoped3A = tpu.sem_alloc : memref<!tpu.dma_semaphore, #tpu.memory_space<semaphore_mem>>
        %dma_start3A = tpu.memref_slice %arg27[%mul3A_3] : memref<10240xf32, #tpu.memory_space<vmem_shared>> -> memref<640xf32, #tpu.memory_space<vmem_shared>>
        %dma_start3A_245 = tpu.memref_slice %arg27[%mul3A_3] : memref<10240xf32, #tpu.memory_space<vmem_shared>> -> memref<640xf32, #tpu.memory_space<vmem_shared>>
        tpu.enqueue_dma source(%arg21 : memref<640xf32, #tpu.memory_space<vmem>>) target(%dma_start3A_245 : memref<640xf32, #tpu.memory_space<vmem_shared>>) target_semaphore(%run_scoped3A : memref<!tpu.dma_semaphore, #tpu.memory_space<semaphore_mem>>)
        %dma_wait3A = tpu.memref_slice %arg27[%mul3A_3] : memref<10240xf32, #tpu.memory_space<vmem_shared>> -> memref<640xf32, #tpu.memory_space<vmem_shared>>
        %dma_wait3A_246 = tpu.memref_slice %arg27[%mul3A_3] : memref<10240xf32, #tpu.memory_space<vmem_shared>> -> memref<640xf32, #tpu.memory_space<vmem_shared>>
        tpu.wait_dma2 semaphore(%run_scoped3A : memref<!tpu.dma_semaphore, #tpu.memory_space<semaphore_mem>>) src(%arg21 : memref<640xf32, #tpu.memory_space<vmem>>) dst(%dma_wait3A_246 : memref<640xf32, #tpu.memory_space<vmem_shared>>)
        tpu.yield
      }) : () -> ()
      "tpu.region"() ({
        %run_scoped3A = tpu.sem_alloc : memref<!tpu.dma_semaphore, #tpu.memory_space<semaphore_mem>>
        %dma_start3A = tpu.memref_slice %arg28[%mul3A_3] : memref<10240xf32, #tpu.memory_space<vmem_shared>> -> memref<640xf32, #tpu.memory_space<vmem_shared>>
        %dma_start3A_245 = tpu.memref_slice %arg28[%mul3A_3] : memref<10240xf32, #tpu.memory_space<vmem_shared>> -> memref<640xf32, #tpu.memory_space<vmem_shared>>
        tpu.enqueue_dma source(%arg18 : memref<640xf32, #tpu.memory_space<vmem>>) target(%dma_start3A_245 : memref<640xf32, #tpu.memory_space<vmem_shared>>) target_semaphore(%run_scoped3A : memref<!tpu.dma_semaphore, #tpu.memory_space<semaphore_mem>>)
        %dma_wait3A = tpu.memref_slice %arg28[%mul3A_3] : memref<10240xf32, #tpu.memory_space<vmem_shared>> -> memref<640xf32, #tpu.memory_space<vmem_shared>>
        %dma_wait3A_246 = tpu.memref_slice %arg28[%mul3A_3] : memref<10240xf32, #tpu.memory_space<vmem_shared>> -> memref<640xf32, #tpu.memory_space<vmem_shared>>
        tpu.wait_dma2 semaphore(%run_scoped3A : memref<!tpu.dma_semaphore, #tpu.memory_space<semaphore_mem>>) src(%arg18 : memref<640xf32, #tpu.memory_space<vmem>>) dst(%dma_wait3A_246 : memref<640xf32, #tpu.memory_space<vmem_shared>>)
        tpu.yield
      }) : () -> ()
      "tpu.region"() ({
        %run_scoped3A = tpu.sem_alloc : memref<!tpu.dma_semaphore, #tpu.memory_space<semaphore_mem>>
        %dma_start3A = tpu.memref_slice %arg29[%mul3A_3] : memref<10240xf32, #tpu.memory_space<vmem_shared>> -> memref<640xf32, #tpu.memory_space<vmem_shared>>
        %dma_start3A_245 = tpu.memref_slice %arg29[%mul3A_3] : memref<10240xf32, #tpu.memory_space<vmem_shared>> -> memref<640xf32, #tpu.memory_space<vmem_shared>>
        tpu.enqueue_dma source(%arg19 : memref<640xf32, #tpu.memory_space<vmem>>) target(%dma_start3A_245 : memref<640xf32, #tpu.memory_space<vmem_shared>>) target_semaphore(%run_scoped3A : memref<!tpu.dma_semaphore, #tpu.memory_space<semaphore_mem>>)
        %dma_wait3A = tpu.memref_slice %arg29[%mul3A_3] : memref<10240xf32, #tpu.memory_space<vmem_shared>> -> memref<640xf32, #tpu.memory_space<vmem_shared>>
        %dma_wait3A_246 = tpu.memref_slice %arg29[%mul3A_3] : memref<10240xf32, #tpu.memory_space<vmem_shared>> -> memref<640xf32, #tpu.memory_space<vmem_shared>>
        tpu.wait_dma2 semaphore(%run_scoped3A : memref<!tpu.dma_semaphore, #tpu.memory_space<semaphore_mem>>) src(%arg19 : memref<640xf32, #tpu.memory_space<vmem>>) dst(%dma_wait3A_246 : memref<640xf32, #tpu.memory_space<vmem_shared>>)
        tpu.yield
      }) : () -> ()
      %barrier3A_244 = arith.constant 0 : index
      tpu.barrier barrier_id(%barrier3A_244)
      "tpu.region"() ({
        %run_scoped3A = tpu.sem_alloc : memref<!tpu.dma_semaphore, #tpu.memory_space<semaphore_mem>>
        tpu.enqueue_dma source(%arg28 : memref<10240xf32, #tpu.memory_space<vmem_shared>>) target(%arg14 : memref<10240xf32, #tpu.memory_space<vmem>>) target_semaphore(%run_scoped3A : memref<!tpu.dma_semaphore, #tpu.memory_space<semaphore_mem>>)
        tpu.wait_dma2 semaphore(%run_scoped3A : memref<!tpu.dma_semaphore, #tpu.memory_space<semaphore_mem>>) src(%arg28 : memref<10240xf32, #tpu.memory_space<vmem_shared>>) dst(%arg14 : memref<10240xf32, #tpu.memory_space<vmem>>)
        tpu.yield
      }) : () -> ()
      "tpu.region"() ({
        %run_scoped3A = tpu.sem_alloc : memref<!tpu.dma_semaphore, #tpu.memory_space<semaphore_mem>>
        tpu.enqueue_dma source(%arg29 : memref<10240xf32, #tpu.memory_space<vmem_shared>>) target(%arg15 : memref<10240xf32, #tpu.memory_space<vmem>>) target_semaphore(%run_scoped3A : memref<!tpu.dma_semaphore, #tpu.memory_space<semaphore_mem>>)
        tpu.wait_dma2 semaphore(%run_scoped3A : memref<!tpu.dma_semaphore, #tpu.memory_space<semaphore_mem>>) src(%arg29 : memref<10240xf32, #tpu.memory_space<vmem_shared>>) dst(%arg15 : memref<10240xf32, #tpu.memory_space<vmem>>)
        tpu.yield
      }) : () -> ()
    }
    %scan3A_55 = arith.constant 5 : i32
    %mul3A_56 = arith.constant 4 : i32
    %mul3A_57 = arith.muli %arg1, %mul3A_56 : i32
    %add3A_58 = arith.constant 0 : i32
    %add3A_59 = arith.addi %mul3A_57, %add3A_58 : i32
    %mul3A_60 = arith.constant 16 : i32
    %mul3A_61 = arith.muli %add3A_59, %mul3A_60 : i32
    %add3A_62 = vector.broadcast %mul3A_61 : i32 to vector<16xi32>
    %add3A_63 = arith.addi %add3A_62, %iota3A : vector<16xi32>
    %lt3A = arith.constant 1000 : i32
    %lt3A_64 = vector.broadcast %lt3A : i32 to vector<16xi32>
    %lt3A_65 = arith.cmpi slt, %add3A_63, %lt3A_64 : vector<16xi32>
    %get3A_66 = arith.index_cast %mul3A_61 : i32 to index
    %get3A_67 = tpu.vector_load %arg22[%get3A_66] {strides = array<i32>} : memref<1024xi32, #tpu.memory_space<vmem>>, vector<16xi32>,
    %gather3A = tpu.vector_load_idx %arg15[%get3A_67] : memref<10240xf32, #tpu.memory_space<vmem>>[vector<16xi32>], vector<16xf32>,
    %max3A = arith.constant 9.99999997E-7 : f32
    %max3A_68 = vector.broadcast %max3A : f32 to vector<16xf32>
    %max3A_69 = arith.maximumf %gather3A, %max3A_68 : vector<16xf32>
    %jit3A = arith.constant 1.000000e+00 : f32
    %broadcast_in_dim3A_70 = vector.broadcast %jit3A : f32 to vector<16xf32>
    %select_n3A = arith.select %lt3A_65, %max3A_69, %broadcast_in_dim3A_70 : vector<16xi1>, vector<16xf32>
    %swap3A = arith.constant 0 : index
    %swap3A_71 = tpu.vector_load %arg25[%swap3A] {strides = array<i32>} : memref<16xf32, #tpu.memory_space<vmem>>, vector<16xf32>,
    tpu.vector_store %arg25[%swap3A], %select_n3A {strides = array<i32>} : memref<16xf32, #tpu.memory_space<vmem>>, vector<16xf32>,
    %eq3A = arith.constant 0 : i32
    %eq3A_72 = arith.cmpi eq, %arg0, %eq3A : i32
    %convert_element_type3A = arith.extui %eq3A_72 : i1 to i32
    %cond3A = arith.constant 0 : i32
    %cond3A_73 = arith.cmpi ne, %convert_element_type3A, %cond3A : i32
    scf.if %cond3A_73 {
      "tpu.region"() ({
        %run_scoped3A = tpu.sem_alloc : memref<!tpu.dma_semaphore, #tpu.memory_space<semaphore_mem>>
        %dma_start3A = tpu.memref_slice %arg9[%mul3A_61] : memref<2048xf32, #tpu.memory_space<hbm>> -> memref<16xf32, #tpu.memory_space<hbm>>
        %dma_start3A_224 = tpu.memref_slice %arg9[%mul3A_61] : memref<2048xf32, #tpu.memory_space<hbm>> -> memref<16xf32, #tpu.memory_space<hbm>>
        tpu.enqueue_dma source(%arg25 : memref<16xf32, #tpu.memory_space<vmem>>) target(%dma_start3A_224 : memref<16xf32, #tpu.memory_space<hbm>>) target_semaphore(%run_scoped3A : memref<!tpu.dma_semaphore, #tpu.memory_space<semaphore_mem>>)
        %dma_wait3A = tpu.memref_slice %arg9[%mul3A_61] : memref<2048xf32, #tpu.memory_space<hbm>> -> memref<16xf32, #tpu.memory_space<hbm>>
        %dma_wait3A_225 = tpu.memref_slice %arg9[%mul3A_61] : memref<2048xf32, #tpu.memory_space<hbm>> -> memref<16xf32, #tpu.memory_space<hbm>>
        tpu.wait_dma2 semaphore(%run_scoped3A : memref<!tpu.dma_semaphore, #tpu.memory_space<semaphore_mem>>) src(%arg25 : memref<16xf32, #tpu.memory_space<vmem>>) dst(%dma_wait3A_225 : memref<16xf32, #tpu.memory_space<hbm>>)
        tpu.yield
      }) : () -> ()
    } else {
    }
    %get3A_74 = arith.index_cast %mul3A_61 : i32 to index
    %get3A_75 = tpu.vector_load %arg23[%get3A_74] {strides = array<i32>} : memref<1024xi32, #tpu.memory_space<vmem>>, vector<16xi32>,
    %gather3A_76 = tpu.vector_load_idx %arg14[%get3A_75] : memref<10240xf32, #tpu.memory_space<vmem>>[vector<16xi32>], vector<16xf32>,
    %max3A_77 = arith.constant 9.99999997E-7 : f32
    %max3A_78 = vector.broadcast %max3A_77 : f32 to vector<16xf32>
    %max3A_79 = arith.maximumf %gather3A_76, %max3A_78 : vector<16xf32>
    %jit3A_80 = arith.constant 1.000000e+00 : f32
    %broadcast_in_dim3A_81 = vector.broadcast %jit3A_80 : f32 to vector<16xf32>
    %select_n3A_82 = arith.select %lt3A_65, %max3A_79, %broadcast_in_dim3A_81 : vector<16xi1>, vector<16xf32>
    %swap3A_83 = arith.constant 0 : index
    %swap3A_84 = tpu.vector_load %arg25[%swap3A_83] {strides = array<i32>} : memref<16xf32, #tpu.memory_space<vmem>>, vector<16xf32>,
    tpu.vector_store %arg25[%swap3A_83], %select_n3A_82 {strides = array<i32>} : memref<16xf32, #tpu.memory_space<vmem>>, vector<16xf32>,
    %eq3A_85 = arith.constant 0 : i32
    %eq3A_86 = arith.cmpi eq, %arg0, %eq3A_85 : i32
    %convert_element_type3A_87 = arith.extui %eq3A_86 : i1 to i32
    %cond3A_88 = arith.constant 0 : i32
    %cond3A_89 = arith.cmpi ne, %convert_element_type3A_87, %cond3A_88 : i32
    scf.if %cond3A_89 {
      %add3A_224 = arith.constant 1024 : i32
      %add3A_225 = arith.addi %add3A_224, %mul3A_61 : i32
      "tpu.region"() ({
        %run_scoped3A = tpu.sem_alloc : memref<!tpu.dma_semaphore, #tpu.memory_space<semaphore_mem>>
        %dma_start3A = tpu.memref_slice %arg9[%add3A_225] : memref<2048xf32, #tpu.memory_space<hbm>> -> memref<16xf32, #tpu.memory_space<hbm>>
        %dma_start3A_226 = tpu.memref_slice %arg9[%add3A_225] : memref<2048xf32, #tpu.memory_space<hbm>> -> memref<16xf32, #tpu.memory_space<hbm>>
        tpu.enqueue_dma source(%arg25 : memref<16xf32, #tpu.memory_space<vmem>>) target(%dma_start3A_226 : memref<16xf32, #tpu.memory_space<hbm>>) target_semaphore(%run_scoped3A : memref<!tpu.dma_semaphore, #tpu.memory_space<semaphore_mem>>)
        %dma_wait3A = tpu.memref_slice %arg9[%add3A_225] : memref<2048xf32, #tpu.memory_space<hbm>> -> memref<16xf32, #tpu.memory_space<hbm>>
        %dma_wait3A_227 = tpu.memref_slice %arg9[%add3A_225] : memref<2048xf32, #tpu.memory_space<hbm>> -> memref<16xf32, #tpu.memory_space<hbm>>
        tpu.wait_dma2 semaphore(%run_scoped3A : memref<!tpu.dma_semaphore, #tpu.memory_space<semaphore_mem>>) src(%arg25 : memref<16xf32, #tpu.memory_space<vmem>>) dst(%dma_wait3A_227 : memref<16xf32, #tpu.memory_space<hbm>>)
        tpu.yield
      }) : () -> ()
    } else {
    }
    %mul3A_90 = arith.constant 4 : i32
    %mul3A_91 = arith.muli %arg1, %mul3A_90 : i32
    %add3A_92 = arith.constant 1 : i32
    %add3A_93 = arith.addi %mul3A_91, %add3A_92 : i32
    %mul3A_94 = arith.constant 16 : i32
    %mul3A_95 = arith.muli %add3A_93, %mul3A_94 : i32
    %add3A_96 = vector.broadcast %mul3A_95 : i32 to vector<16xi32>
    %add3A_97 = arith.addi %add3A_96, %iota3A : vector<16xi32>
    %lt3A_98 = arith.constant 1000 : i32
    %lt3A_99 = vector.broadcast %lt3A_98 : i32 to vector<16xi32>
    %lt3A_100 = arith.cmpi slt, %add3A_97, %lt3A_99 : vector<16xi32>
    %get3A_101 = arith.index_cast %mul3A_95 : i32 to index
    %get3A_102 = tpu.vector_load %arg22[%get3A_101] {strides = array<i32>} : memref<1024xi32, #tpu.memory_space<vmem>>, vector<16xi32>,
    %gather3A_103 = tpu.vector_load_idx %arg15[%get3A_102] : memref<10240xf32, #tpu.memory_space<vmem>>[vector<16xi32>], vector<16xf32>,
    %max3A_104 = arith.constant 9.99999997E-7 : f32
    %max3A_105 = vector.broadcast %max3A_104 : f32 to vector<16xf32>
    %max3A_106 = arith.maximumf %gather3A_103, %max3A_105 : vector<16xf32>
    %jit3A_107 = arith.constant 1.000000e+00 : f32
    %broadcast_in_dim3A_108 = vector.broadcast %jit3A_107 : f32 to vector<16xf32>
    %select_n3A_109 = arith.select %lt3A_100, %max3A_106, %broadcast_in_dim3A_108 : vector<16xi1>, vector<16xf32>
    %swap3A_110 = arith.constant 0 : index
    %swap3A_111 = tpu.vector_load %arg25[%swap3A_110] {strides = array<i32>} : memref<16xf32, #tpu.memory_space<vmem>>, vector<16xf32>,
    tpu.vector_store %arg25[%swap3A_110], %select_n3A_109 {strides = array<i32>} : memref<16xf32, #tpu.memory_space<vmem>>, vector<16xf32>,
    %eq3A_112 = arith.constant 0 : i32
    %eq3A_113 = arith.cmpi eq, %arg0, %eq3A_112 : i32
    %convert_element_type3A_114 = arith.extui %eq3A_113 : i1 to i32
    %cond3A_115 = arith.constant 0 : i32
    %cond3A_116 = arith.cmpi ne, %convert_element_type3A_114, %cond3A_115 : i32
    scf.if %cond3A_116 {
      "tpu.region"() ({
        %run_scoped3A = tpu.sem_alloc : memref<!tpu.dma_semaphore, #tpu.memory_space<semaphore_mem>>
        %dma_start3A = tpu.memref_slice %arg9[%mul3A_95] : memref<2048xf32, #tpu.memory_space<hbm>> -> memref<16xf32, #tpu.memory_space<hbm>>
        %dma_start3A_224 = tpu.memref_slice %arg9[%mul3A_95] : memref<2048xf32, #tpu.memory_space<hbm>> -> memref<16xf32, #tpu.memory_space<hbm>>
        tpu.enqueue_dma source(%arg25 : memref<16xf32, #tpu.memory_space<vmem>>) target(%dma_start3A_224 : memref<16xf32, #tpu.memory_space<hbm>>) target_semaphore(%run_scoped3A : memref<!tpu.dma_semaphore, #tpu.memory_space<semaphore_mem>>)
        %dma_wait3A = tpu.memref_slice %arg9[%mul3A_95] : memref<2048xf32, #tpu.memory_space<hbm>> -> memref<16xf32, #tpu.memory_space<hbm>>
        %dma_wait3A_225 = tpu.memref_slice %arg9[%mul3A_95] : memref<2048xf32, #tpu.memory_space<hbm>> -> memref<16xf32, #tpu.memory_space<hbm>>
        tpu.wait_dma2 semaphore(%run_scoped3A : memref<!tpu.dma_semaphore, #tpu.memory_space<semaphore_mem>>) src(%arg25 : memref<16xf32, #tpu.memory_space<vmem>>) dst(%dma_wait3A_225 : memref<16xf32, #tpu.memory_space<hbm>>)
        tpu.yield
      }) : () -> ()
    } else {
    }
    %get3A_117 = arith.index_cast %mul3A_95 : i32 to index
    %get3A_118 = tpu.vector_load %arg23[%get3A_117] {strides = array<i32>} : memref<1024xi32, #tpu.memory_space<vmem>>, vector<16xi32>,
    %gather3A_119 = tpu.vector_load_idx %arg14[%get3A_118] : memref<10240xf32, #tpu.memory_space<vmem>>[vector<16xi32>], vector<16xf32>,
    %max3A_120 = arith.constant 9.99999997E-7 : f32
    %max3A_121 = vector.broadcast %max3A_120 : f32 to vector<16xf32>
    %max3A_122 = arith.maximumf %gather3A_119, %max3A_121 : vector<16xf32>
    %jit3A_123 = arith.constant 1.000000e+00 : f32
    %broadcast_in_dim3A_124 = vector.broadcast %jit3A_123 : f32 to vector<16xf32>
    %select_n3A_125 = arith.select %lt3A_100, %max3A_122, %broadcast_in_dim3A_124 : vector<16xi1>, vector<16xf32>
    %swap3A_126 = arith.constant 0 : index
    %swap3A_127 = tpu.vector_load %arg25[%swap3A_126] {strides = array<i32>} : memref<16xf32, #tpu.memory_space<vmem>>, vector<16xf32>,
    tpu.vector_store %arg25[%swap3A_126], %select_n3A_125 {strides = array<i32>} : memref<16xf32, #tpu.memory_space<vmem>>, vector<16xf32>,
    %eq3A_128 = arith.constant 0 : i32
    %eq3A_129 = arith.cmpi eq, %arg0, %eq3A_128 : i32
    %convert_element_type3A_130 = arith.extui %eq3A_129 : i1 to i32
    %cond3A_131 = arith.constant 0 : i32
    %cond3A_132 = arith.cmpi ne, %convert_element_type3A_130, %cond3A_131 : i32
    scf.if %cond3A_132 {
      %add3A_224 = arith.constant 1024 : i32
      %add3A_225 = arith.addi %add3A_224, %mul3A_95 : i32
      "tpu.region"() ({
        %run_scoped3A = tpu.sem_alloc : memref<!tpu.dma_semaphore, #tpu.memory_space<semaphore_mem>>
        %dma_start3A = tpu.memref_slice %arg9[%add3A_225] : memref<2048xf32, #tpu.memory_space<hbm>> -> memref<16xf32, #tpu.memory_space<hbm>>
        %dma_start3A_226 = tpu.memref_slice %arg9[%add3A_225] : memref<2048xf32, #tpu.memory_space<hbm>> -> memref<16xf32, #tpu.memory_space<hbm>>
        tpu.enqueue_dma source(%arg25 : memref<16xf32, #tpu.memory_space<vmem>>) target(%dma_start3A_226 : memref<16xf32, #tpu.memory_space<hbm>>) target_semaphore(%run_scoped3A : memref<!tpu.dma_semaphore, #tpu.memory_space<semaphore_mem>>)
        %dma_wait3A = tpu.memref_slice %arg9[%add3A_225] : memref<2048xf32, #tpu.memory_space<hbm>> -> memref<16xf32, #tpu.memory_space<hbm>>
        %dma_wait3A_227 = tpu.memref_slice %arg9[%add3A_225] : memref<2048xf32, #tpu.memory_space<hbm>> -> memref<16xf32, #tpu.memory_space<hbm>>
        tpu.wait_dma2 semaphore(%run_scoped3A : memref<!tpu.dma_semaphore, #tpu.memory_space<semaphore_mem>>) src(%arg25 : memref<16xf32, #tpu.memory_space<vmem>>) dst(%dma_wait3A_227 : memref<16xf32, #tpu.memory_space<hbm>>)
        tpu.yield
      }) : () -> ()
    } else {
    }
    %mul3A_133 = arith.constant 4 : i32
    %mul3A_134 = arith.muli %arg1, %mul3A_133 : i32
    %add3A_135 = arith.constant 2 : i32
    %add3A_136 = arith.addi %mul3A_134, %add3A_135 : i32
    %mul3A_137 = arith.constant 16 : i32
    %mul3A_138 = arith.muli %add3A_136, %mul3A_137 : i32
    %add3A_139 = vector.broadcast %mul3A_138 : i32 to vector<16xi32>
    %add3A_140 = arith.addi %add3A_139, %iota3A : vector<16xi32>
    %lt3A_141 = arith.constant 1000 : i32
    %lt3A_142 = vector.broadcast %lt3A_141 : i32 to vector<16xi32>
    %lt3A_143 = arith.cmpi slt, %add3A_140, %lt3A_142 : vector<16xi32>
    %get3A_144 = arith.index_cast %mul3A_138 : i32 to index
    %get3A_145 = tpu.vector_load %arg22[%get3A_144] {strides = array<i32>} : memref<1024xi32, #tpu.memory_space<vmem>>, vector<16xi32>,
    %gather3A_146 = tpu.vector_load_idx %arg15[%get3A_145] : memref<10240xf32, #tpu.memory_space<vmem>>[vector<16xi32>], vector<16xf32>,
    %max3A_147 = arith.constant 9.99999997E-7 : f32
    %max3A_148 = vector.broadcast %max3A_147 : f32 to vector<16xf32>
    %max3A_149 = arith.maximumf %gather3A_146, %max3A_148 : vector<16xf32>
    %jit3A_150 = arith.constant 1.000000e+00 : f32
    %broadcast_in_dim3A_151 = vector.broadcast %jit3A_150 : f32 to vector<16xf32>
    %select_n3A_152 = arith.select %lt3A_143, %max3A_149, %broadcast_in_dim3A_151 : vector<16xi1>, vector<16xf32>
    %swap3A_153 = arith.constant 0 : index
    %swap3A_154 = tpu.vector_load %arg25[%swap3A_153] {strides = array<i32>} : memref<16xf32, #tpu.memory_space<vmem>>, vector<16xf32>,
    tpu.vector_store %arg25[%swap3A_153], %select_n3A_152 {strides = array<i32>} : memref<16xf32, #tpu.memory_space<vmem>>, vector<16xf32>,
    %eq3A_155 = arith.constant 0 : i32
    %eq3A_156 = arith.cmpi eq, %arg0, %eq3A_155 : i32
    %convert_element_type3A_157 = arith.extui %eq3A_156 : i1 to i32
    %cond3A_158 = arith.constant 0 : i32
    %cond3A_159 = arith.cmpi ne, %convert_element_type3A_157, %cond3A_158 : i32
    scf.if %cond3A_159 {
      "tpu.region"() ({
        %run_scoped3A = tpu.sem_alloc : memref<!tpu.dma_semaphore, #tpu.memory_space<semaphore_mem>>
        %dma_start3A = tpu.memref_slice %arg9[%mul3A_138] : memref<2048xf32, #tpu.memory_space<hbm>> -> memref<16xf32, #tpu.memory_space<hbm>>
        %dma_start3A_224 = tpu.memref_slice %arg9[%mul3A_138] : memref<2048xf32, #tpu.memory_space<hbm>> -> memref<16xf32, #tpu.memory_space<hbm>>
        tpu.enqueue_dma source(%arg25 : memref<16xf32, #tpu.memory_space<vmem>>) target(%dma_start3A_224 : memref<16xf32, #tpu.memory_space<hbm>>) target_semaphore(%run_scoped3A : memref<!tpu.dma_semaphore, #tpu.memory_space<semaphore_mem>>)
        %dma_wait3A = tpu.memref_slice %arg9[%mul3A_138] : memref<2048xf32, #tpu.memory_space<hbm>> -> memref<16xf32, #tpu.memory_space<hbm>>
        %dma_wait3A_225 = tpu.memref_slice %arg9[%mul3A_138] : memref<2048xf32, #tpu.memory_space<hbm>> -> memref<16xf32, #tpu.memory_space<hbm>>
        tpu.wait_dma2 semaphore(%run_scoped3A : memref<!tpu.dma_semaphore, #tpu.memory_space<semaphore_mem>>) src(%arg25 : memref<16xf32, #tpu.memory_space<vmem>>) dst(%dma_wait3A_225 : memref<16xf32, #tpu.memory_space<hbm>>)
        tpu.yield
      }) : () -> ()
    } else {
    }
    %get3A_160 = arith.index_cast %mul3A_138 : i32 to index
    %get3A_161 = tpu.vector_load %arg23[%get3A_160] {strides = array<i32>} : memref<1024xi32, #tpu.memory_space<vmem>>, vector<16xi32>,
    %gather3A_162 = tpu.vector_load_idx %arg14[%get3A_161] : memref<10240xf32, #tpu.memory_space<vmem>>[vector<16xi32>], vector<16xf32>,
    %max3A_163 = arith.constant 9.99999997E-7 : f32
    %max3A_164 = vector.broadcast %max3A_163 : f32 to vector<16xf32>
    %max3A_165 = arith.maximumf %gather3A_162, %max3A_164 : vector<16xf32>
    %jit3A_166 = arith.constant 1.000000e+00 : f32
    %broadcast_in_dim3A_167 = vector.broadcast %jit3A_166 : f32 to vector<16xf32>
    %select_n3A_168 = arith.select %lt3A_143, %max3A_165, %broadcast_in_dim3A_167 : vector<16xi1>, vector<16xf32>
    %swap3A_169 = arith.constant 0 : index
    %swap3A_170 = tpu.vector_load %arg25[%swap3A_169] {strides = array<i32>} : memref<16xf32, #tpu.memory_space<vmem>>, vector<16xf32>,
    tpu.vector_store %arg25[%swap3A_169], %select_n3A_168 {strides = array<i32>} : memref<16xf32, #tpu.memory_space<vmem>>, vector<16xf32>,
    %eq3A_171 = arith.constant 0 : i32
    %eq3A_172 = arith.cmpi eq, %arg0, %eq3A_171 : i32
    %convert_element_type3A_173 = arith.extui %eq3A_172 : i1 to i32
    %cond3A_174 = arith.constant 0 : i32
    %cond3A_175 = arith.cmpi ne, %convert_element_type3A_173, %cond3A_174 : i32
    scf.if %cond3A_175 {
      %add3A_224 = arith.constant 1024 : i32
      %add3A_225 = arith.addi %add3A_224, %mul3A_138 : i32
      "tpu.region"() ({
        %run_scoped3A = tpu.sem_alloc : memref<!tpu.dma_semaphore, #tpu.memory_space<semaphore_mem>>
        %dma_start3A = tpu.memref_slice %arg9[%add3A_225] : memref<2048xf32, #tpu.memory_space<hbm>> -> memref<16xf32, #tpu.memory_space<hbm>>
        %dma_start3A_226 = tpu.memref_slice %arg9[%add3A_225] : memref<2048xf32, #tpu.memory_space<hbm>> -> memref<16xf32, #tpu.memory_space<hbm>>
        tpu.enqueue_dma source(%arg25 : memref<16xf32, #tpu.memory_space<vmem>>) target(%dma_start3A_226 : memref<16xf32, #tpu.memory_space<hbm>>) target_semaphore(%run_scoped3A : memref<!tpu.dma_semaphore, #tpu.memory_space<semaphore_mem>>)
        %dma_wait3A = tpu.memref_slice %arg9[%add3A_225] : memref<2048xf32, #tpu.memory_space<hbm>> -> memref<16xf32, #tpu.memory_space<hbm>>
        %dma_wait3A_227 = tpu.memref_slice %arg9[%add3A_225] : memref<2048xf32, #tpu.memory_space<hbm>> -> memref<16xf32, #tpu.memory_space<hbm>>
        tpu.wait_dma2 semaphore(%run_scoped3A : memref<!tpu.dma_semaphore, #tpu.memory_space<semaphore_mem>>) src(%arg25 : memref<16xf32, #tpu.memory_space<vmem>>) dst(%dma_wait3A_227 : memref<16xf32, #tpu.memory_space<hbm>>)
        tpu.yield
      }) : () -> ()
    } else {
    }
    %mul3A_176 = arith.constant 4 : i32
    %mul3A_177 = arith.muli %arg1, %mul3A_176 : i32
    %add3A_178 = arith.constant 3 : i32
    %add3A_179 = arith.addi %mul3A_177, %add3A_178 : i32
    %mul3A_180 = arith.constant 16 : i32
    %mul3A_181 = arith.muli %add3A_179, %mul3A_180 : i32
    %add3A_182 = vector.broadcast %mul3A_181 : i32 to vector<16xi32>
    %add3A_183 = arith.addi %add3A_182, %iota3A : vector<16xi32>
    %lt3A_184 = arith.constant 1000 : i32
    %lt3A_185 = vector.broadcast %lt3A_184 : i32 to vector<16xi32>
    %lt3A_186 = arith.cmpi slt, %add3A_183, %lt3A_185 : vector<16xi32>
    %get3A_187 = arith.index_cast %mul3A_181 : i32 to index
    %get3A_188 = tpu.vector_load %arg22[%get3A_187] {strides = array<i32>} : memref<1024xi32, #tpu.memory_space<vmem>>, vector<16xi32>,
    %gather3A_189 = tpu.vector_load_idx %arg15[%get3A_188] : memref<10240xf32, #tpu.memory_space<vmem>>[vector<16xi32>], vector<16xf32>,
    %max3A_190 = arith.constant 9.99999997E-7 : f32
    %max3A_191 = vector.broadcast %max3A_190 : f32 to vector<16xf32>
    %max3A_192 = arith.maximumf %gather3A_189, %max3A_191 : vector<16xf32>
    %jit3A_193 = arith.constant 1.000000e+00 : f32
    %broadcast_in_dim3A_194 = vector.broadcast %jit3A_193 : f32 to vector<16xf32>
    %select_n3A_195 = arith.select %lt3A_186, %max3A_192, %broadcast_in_dim3A_194 : vector<16xi1>, vector<16xf32>
    %swap3A_196 = arith.constant 0 : index
    %swap3A_197 = tpu.vector_load %arg25[%swap3A_196] {strides = array<i32>} : memref<16xf32, #tpu.memory_space<vmem>>, vector<16xf32>,
    tpu.vector_store %arg25[%swap3A_196], %select_n3A_195 {strides = array<i32>} : memref<16xf32, #tpu.memory_space<vmem>>, vector<16xf32>,
    %eq3A_198 = arith.constant 0 : i32
    %eq3A_199 = arith.cmpi eq, %arg0, %eq3A_198 : i32
    %convert_element_type3A_200 = arith.extui %eq3A_199 : i1 to i32
    %cond3A_201 = arith.constant 0 : i32
    %cond3A_202 = arith.cmpi ne, %convert_element_type3A_200, %cond3A_201 : i32
    scf.if %cond3A_202 {
      "tpu.region"() ({
        %run_scoped3A = tpu.sem_alloc : memref<!tpu.dma_semaphore, #tpu.memory_space<semaphore_mem>>
        %dma_start3A = tpu.memref_slice %arg9[%mul3A_181] : memref<2048xf32, #tpu.memory_space<hbm>> -> memref<16xf32, #tpu.memory_space<hbm>>
        %dma_start3A_224 = tpu.memref_slice %arg9[%mul3A_181] : memref<2048xf32, #tpu.memory_space<hbm>> -> memref<16xf32, #tpu.memory_space<hbm>>
        tpu.enqueue_dma source(%arg25 : memref<16xf32, #tpu.memory_space<vmem>>) target(%dma_start3A_224 : memref<16xf32, #tpu.memory_space<hbm>>) target_semaphore(%run_scoped3A : memref<!tpu.dma_semaphore, #tpu.memory_space<semaphore_mem>>)
        %dma_wait3A = tpu.memref_slice %arg9[%mul3A_181] : memref<2048xf32, #tpu.memory_space<hbm>> -> memref<16xf32, #tpu.memory_space<hbm>>
        %dma_wait3A_225 = tpu.memref_slice %arg9[%mul3A_181] : memref<2048xf32, #tpu.memory_space<hbm>> -> memref<16xf32, #tpu.memory_space<hbm>>
        tpu.wait_dma2 semaphore(%run_scoped3A : memref<!tpu.dma_semaphore, #tpu.memory_space<semaphore_mem>>) src(%arg25 : memref<16xf32, #tpu.memory_space<vmem>>) dst(%dma_wait3A_225 : memref<16xf32, #tpu.memory_space<hbm>>)
        tpu.yield
      }) : () -> ()
    } else {
    }
    %get3A_203 = arith.index_cast %mul3A_181 : i32 to index
    %get3A_204 = tpu.vector_load %arg23[%get3A_203] {strides = array<i32>} : memref<1024xi32, #tpu.memory_space<vmem>>, vector<16xi32>,
    %gather3A_205 = tpu.vector_load_idx %arg14[%get3A_204] : memref<10240xf32, #tpu.memory_space<vmem>>[vector<16xi32>], vector<16xf32>,
    %max3A_206 = arith.constant 9.99999997E-7 : f32
    %max3A_207 = vector.broadcast %max3A_206 : f32 to vector<16xf32>
    %max3A_208 = arith.maximumf %gather3A_205, %max3A_207 : vector<16xf32>
    %jit3A_209 = arith.constant 1.000000e+00 : f32
    %broadcast_in_dim3A_210 = vector.broadcast %jit3A_209 : f32 to vector<16xf32>
    %select_n3A_211 = arith.select %lt3A_186, %max3A_208, %broadcast_in_dim3A_210 : vector<16xi1>, vector<16xf32>
    %swap3A_212 = arith.constant 0 : index
    %swap3A_213 = tpu.vector_load %arg25[%swap3A_212] {strides = array<i32>} : memref<16xf32, #tpu.memory_space<vmem>>, vector<16xf32>,
    tpu.vector_store %arg25[%swap3A_212], %select_n3A_211 {strides = array<i32>} : memref<16xf32, #tpu.memory_space<vmem>>, vector<16xf32>,
    %eq3A_214 = arith.constant 0 : i32
    %eq3A_215 = arith.cmpi eq, %arg0, %eq3A_214 : i32
    %convert_element_type3A_216 = arith.extui %eq3A_215 : i1 to i32
    %cond3A_217 = arith.constant 0 : i32
    %cond3A_218 = arith.cmpi ne, %convert_element_type3A_216, %cond3A_217 : i32
    scf.if %cond3A_218 {
      %add3A_224 = arith.constant 1024 : i32
      %add3A_225 = arith.addi %add3A_224, %mul3A_181 : i32
      "tpu.region"() ({
        %run_scoped3A = tpu.sem_alloc : memref<!tpu.dma_semaphore, #tpu.memory_space<semaphore_mem>>
        %dma_start3A = tpu.memref_slice %arg9[%add3A_225] : memref<2048xf32, #tpu.memory_space<hbm>> -> memref<16xf32, #tpu.memory_space<hbm>>
        %dma_start3A_226 = tpu.memref_slice %arg9[%add3A_225] : memref<2048xf32, #tpu.memory_space<hbm>> -> memref<16xf32, #tpu.memory_space<hbm>>
        tpu.enqueue_dma source(%arg25 : memref<16xf32, #tpu.memory_space<vmem>>) target(%dma_start3A_226 : memref<16xf32, #tpu.memory_space<hbm>>) target_semaphore(%run_scoped3A : memref<!tpu.dma_semaphore, #tpu.memory_space<semaphore_mem>>)
        %dma_wait3A = tpu.memref_slice %arg9[%add3A_225] : memref<2048xf32, #tpu.memory_space<hbm>> -> memref<16xf32, #tpu.memory_space<hbm>>
        %dma_wait3A_227 = tpu.memref_slice %arg9[%add3A_225] : memref<2048xf32, #tpu.memory_space<hbm>> -> memref<16xf32, #tpu.memory_space<hbm>>
        tpu.wait_dma2 semaphore(%run_scoped3A : memref<!tpu.dma_semaphore, #tpu.memory_space<semaphore_mem>>) src(%arg25 : memref<16xf32, #tpu.memory_space<vmem>>) dst(%dma_wait3A_227 : memref<16xf32, #tpu.memory_space<hbm>>)
        tpu.yield
      }) : () -> ()
    } else {
    }
    %eq3A_219 = arith.constant 0 : i32
    %eq3A_220 = arith.cmpi eq, %arg0, %eq3A_219 : i32
    %convert_element_type3A_221 = arith.extui %eq3A_220 : i1 to i32
    %cond3A_222 = arith.constant 0 : i32
    %cond3A_223 = arith.cmpi ne, %convert_element_type3A_221, %cond3A_222 : i32
    scf.if %cond3A_223 {
      "tpu.region"() ({
        %run_scoped3A = tpu.sem_alloc : memref<!tpu.dma_semaphore, #tpu.memory_space<semaphore_mem>>
        %dma_start3A = tpu.memref_slice %arg14[%mul3A_3] : memref<10240xf32, #tpu.memory_space<vmem>> -> memref<640xf32, #tpu.memory_space<vmem>>
        %dma_start3A_224 = tpu.memref_slice %arg7[%mul3A_3] : memref<10240xf32, #tpu.memory_space<hbm>> -> memref<640xf32, #tpu.memory_space<hbm>>
        %dma_start3A_225 = tpu.memref_slice %arg7[%mul3A_3] : memref<10240xf32, #tpu.memory_space<hbm>> -> memref<640xf32, #tpu.memory_space<hbm>>
        %dma_start3A_226 = tpu.memref_slice %arg14[%mul3A_3] : memref<10240xf32, #tpu.memory_space<vmem>> -> memref<640xf32, #tpu.memory_space<vmem>>
        tpu.enqueue_dma source(%dma_start3A_226 : memref<640xf32, #tpu.memory_space<vmem>>) target(%dma_start3A_225 : memref<640xf32, #tpu.memory_space<hbm>>) target_semaphore(%run_scoped3A : memref<!tpu.dma_semaphore, #tpu.memory_space<semaphore_mem>>)
        %dma_wait3A = tpu.memref_slice %arg14[%mul3A_3] : memref<10240xf32, #tpu.memory_space<vmem>> -> memref<640xf32, #tpu.memory_space<vmem>>
        %dma_wait3A_227 = tpu.memref_slice %arg7[%mul3A_3] : memref<10240xf32, #tpu.memory_space<hbm>> -> memref<640xf32, #tpu.memory_space<hbm>>
        %dma_wait3A_228 = tpu.memref_slice %arg7[%mul3A_3] : memref<10240xf32, #tpu.memory_space<hbm>> -> memref<640xf32, #tpu.memory_space<hbm>>
        %dma_wait3A_229 = tpu.memref_slice %arg14[%mul3A_3] : memref<10240xf32, #tpu.memory_space<vmem>> -> memref<640xf32, #tpu.memory_space<vmem>>
        tpu.wait_dma2 semaphore(%run_scoped3A : memref<!tpu.dma_semaphore, #tpu.memory_space<semaphore_mem>>) src(%dma_wait3A_229 : memref<640xf32, #tpu.memory_space<vmem>>) dst(%dma_wait3A_228 : memref<640xf32, #tpu.memory_space<hbm>>)
        tpu.yield
      }) : () -> ()
      "tpu.region"() ({
        %run_scoped3A = tpu.sem_alloc : memref<!tpu.dma_semaphore, #tpu.memory_space<semaphore_mem>>
        %dma_start3A = tpu.memref_slice %arg15[%mul3A_3] : memref<10240xf32, #tpu.memory_space<vmem>> -> memref<640xf32, #tpu.memory_space<vmem>>
        %dma_start3A_224 = tpu.memref_slice %arg8[%mul3A_3] : memref<10240xf32, #tpu.memory_space<hbm>> -> memref<640xf32, #tpu.memory_space<hbm>>
        %dma_start3A_225 = tpu.memref_slice %arg8[%mul3A_3] : memref<10240xf32, #tpu.memory_space<hbm>> -> memref<640xf32, #tpu.memory_space<hbm>>
        %dma_start3A_226 = tpu.memref_slice %arg15[%mul3A_3] : memref<10240xf32, #tpu.memory_space<vmem>> -> memref<640xf32, #tpu.memory_space<vmem>>
        tpu.enqueue_dma source(%dma_start3A_226 : memref<640xf32, #tpu.memory_space<vmem>>) target(%dma_start3A_225 : memref<640xf32, #tpu.memory_space<hbm>>) target_semaphore(%run_scoped3A : memref<!tpu.dma_semaphore, #tpu.memory_space<semaphore_mem>>)
        %dma_wait3A = tpu.memref_slice %arg15[%mul3A_3] : memref<10240xf32, #tpu.memory_space<vmem>> -> memref<640xf32, #tpu.memory_space<vmem>>
        %dma_wait3A_227 = tpu.memref_slice %arg8[%mul3A_3] : memref<10240xf32, #tpu.memory_space<hbm>> -> memref<640xf32, #tpu.memory_space<hbm>>
        %dma_wait3A_228 = tpu.memref_slice %arg8[%mul3A_3] : memref<10240xf32, #tpu.memory_space<hbm>> -> memref<640xf32, #tpu.memory_space<hbm>>
        %dma_wait3A_229 = tpu.memref_slice %arg15[%mul3A_3] : memref<10240xf32, #tpu.memory_space<vmem>> -> memref<640xf32, #tpu.memory_space<vmem>>
        tpu.wait_dma2 semaphore(%run_scoped3A : memref<!tpu.dma_semaphore, #tpu.memory_space<semaphore_mem>>) src(%dma_wait3A_229 : memref<640xf32, #tpu.memory_space<vmem>>) dst(%dma_wait3A_228 : memref<640xf32, #tpu.memory_space<hbm>>)
        tpu.yield
      }) : () -> ()
    } else {
    }
    return
  }
}

module attributes {stable_mosaic.version = 14 : i64} {
  func.func @_loss_body(%arg0: memref<16x128xf32, #tpu.memory_space<vmem>>, %arg1: memref<8x128xf32, #tpu.memory_space<vmem>>) attributes {dimension_semantics = [], scalar_prefetch = 0 : i64, scratch_operands = 0 : i64, tpu.core_type = #tpu.core_type<tc>} {
    %get3A = arith.constant 0 : index
    %get3A_0 = arith.constant 0 : index
    %get3A_1 = vector.load %arg0[%get3A, %get3A_0] : memref<16x128xf32, #tpu.memory_space<vmem>>, vector<16x128xf32>
    %log3A = math.log %get3A_1 : vector<16x128xf32>
    %reduce_sum3A = vector.shape_cast %log3A : vector<16x128xf32> to vector<1x16x128xf32>
    %reduce_sum3A_2 = arith.constant dense<0.000000e+00> : vector<1xf32>
    %reduce_sum3A_3 = vector.multi_reduction <add>, %reduce_sum3A, %reduce_sum3A_2 [1, 2] : vector<1x16x128xf32> to vector<1xf32>
    %reduce_sum3A_4 = vector.shape_cast %reduce_sum3A_3 : vector<1xf32> to vector<1x1x1xf32>
    %reduce_sum3A_5 = vector.extract %reduce_sum3A_4[0, 0, 0] : f32 from vector<1x1x1xf32>
    %neg3A = arith.constant 0.000000e+00 : f32
    %neg3A_6 = arith.subf %neg3A, %reduce_sum3A_5 : f32
    %div3A = arith.constant 1.000000e+03 : f32
    %div3A_7 = arith.divf %neg3A_6, %div3A : f32
    %broadcast_in_dim3A = vector.broadcast %div3A_7 : f32 to vector<8x128xf32>
    %swap3A = arith.constant 0 : index
    %swap3A_8 = arith.constant 0 : index
    %swap3A_9 = vector.load %arg1[%swap3A, %swap3A_8] : memref<8x128xf32, #tpu.memory_space<vmem>>, vector<8x128xf32>
    tpu.vector_store %arg1[%swap3A, %swap3A_8], %broadcast_in_dim3A {strides = array<i32>} : memref<8x128xf32, #tpu.memory_space<vmem>>, vector<8x128xf32>,
    return
  }
}

</mosaic_0001>

<sc_bundles>
// kernel: kernel.4.cloned.1.call-start
scs
__scs_entry_jumppad:
0x0: {  	(pc) =	sbr.rel $0x88, $3  }
0x1: {  	(tag) =	ssettag $0x0;
	lr =	simm.s32 $0x1  }
0x2: {  	[smem:$0x3F9D] =	sst lr;
	_ =	strace $0xD0000000  }
0x3: {  	_ = 	snop  }
0x4: {  	_ = 	snop  }
0x5: {  	_ = 	snop  }
0x6: {  	_ = 	snop  }
0x7: {  	_ = 	snop  }
__scs_overlays_trampoline_lowered:
0x8: {  	[smem:$0x3FAC] =	sst s0  }
0x9: {  	[smem:$0x3FAD] =	sst s1  }
0xa: {  	[smem:$0x3FAE] =	sst s2  }
0xb: {  	[smem:$0x3FAF] =	sst s3  }
0xc: {  	[smem:$0x3FB0] =	sst s4  }
0xd: {  	[smem:$0x3FB1] =	sst s5  }
0xe: {  	[smem:$0x3FB2] =	sst s6  }
0xf: {  	[smem:$0x3FB3] =	sst s7  }
0x10: {  	[smem:$0x3FB4] =	sst s8  }
0x11: {  	[smem:$0x3FB5] =	sst s9;
	s0 =	simm.s32 @!p0 $0x0  }
0x12: {  	s1 =	sld [smem:$0x3F9B];
	s0 =	simm.s32 @p0 $0x1  }
0x13: {  	[smem:$0x3FB6] =	sst s0;
	s0 =	simm.s32 @!p1 $0x0  }
0x14: {  	s2 =	sld [smem:$0x3F9A];
	s0 =	simm.s32 @p1 $0x1  }
0x15: {  	[smem:$0x3FB7] =	sst s0;
	s0 =	simm.s32 @!p2 $0x0  }
0x16: {  	s3 =	sld [smem:$0x3FDB];
	s0 =	simm.s32 @p2 $0x1  }
0x17: {  	s4 =	simm.s32 $0x1BF5;
	[smem:$0x3FB9] =	sst s0  }
0x18: {  	s0 =	sld [smem:$0x3F9C];
	_ =	swait.ge [sflag:s4], $0x0  }
0x19: {  	s7 =	sld [smem:$0x3F9D]  }
0x1a: {  	s8 =	sadd.s32 $0xFFFFE003, lr  }
0x1b: {  	s9 =	sadd.s32 $0xFFFFFEF7, lr;
	s5 =	simm.s32 $0xFFFFFFFF;
	p2 =	slt.u32 s8, $0xFFFFF086  }
0x1c: {  	p1 =	slt.u32 s9, $0xF7A;
	s5 =	simm.s32 @!p2 $0x0  }
0x1d: {  	s5 =	simm.s32 @p1 $0x1;
	p0 =	seq.s32 s7, s2  }
0x1e: {  	s7 =	smul.u32 @!p0 $0xF7A, s2;
	p2 =	seq.s32 @!p0 s5, $0x0  }
0x1f: {  	s9 =	smul.u32 $0xF7A, s1;
	s8 =	simm.s32 @!p0 $0x1BF5;
	p2 =	por !p2, p0  }
0x20: {  	[sflag:s8] =	ssyncset.s32 @!p0 $0xFFFFF086;
	s6 =	sadd.s32 @!p0 s3, s7;
	s7 =	simm.s32 @!p0 $0x108  }
0x21: {  	s3 =	sadd.s32 s3, s9;
	s6 =	sadd.s32 @!p0 $0x88, s6;
	s7 =	simm.s32 @p2 $0x1082  }
0x22: {  	[simem:s7], [sflag:s8] =	dma.local @!p0 [hbm:s6], $0xF7A  }
0x23: {  	s9 =	sor.u32 $0xD0000000, s2;
	s6 =	simm.s32 $0x108;
	_ =	swait.ge @!p0 [sflag:s8], $0x0  }
0x24: {  	s3 =	sadd.s32 $0x88, s3;
	s6 =	simm.s32 @!p1 $0x1082;
	[sflag:s4] =	ssyncset.s32 $0xFFFFF086  }
0x25: {  	[simem:s6], [sflag:s4] =	dma.local [hbm:s3], $0xF7A  }
0x26: {  	[smem:$0x3F9D] =	sst s1;
	(tag) =	ssettag s2;
	_ =	strace s9  }
0x27: {  	s1 =	sld [smem:$0x3FAD]  }
0x28: {  	s2 =	sld [smem:$0x3FAE]  }
0x29: {  	s4 =	sld [smem:$0x3FB0]  }
0x2a: {  	p0 =	seq.s32 s5, $0x0;
	s5 =	sld [smem:$0x3FB1]  }
0x2b: {  	s6 =	sld [smem:$0x3FB2]  }
0x2c: {  	s7 =	sld [smem:$0x3FB3]  }
0x2d: {  	s3 =	simm.s32 $0x108;
	s8 =	sld [smem:$0x3FB4]  }
0x2e: {  	s3 =	simm.s32 @!p0 $0x1082;
	s9 =	sld [smem:$0x3FB5]  }
0x2f: {  	lr =	sadd.s32 s0, s3;
	s0 =	sld [smem:$0x3FAC]  }
0x30: {  	s3 =	sld [smem:$0x3FAF]  }
0x31: {  	[smem:$0x3FB8] =	sst s10  }
0x32: {  	s10 =	sld [smem:$0x3FB6];
	_ =	sdelay $0x3  }
0x33: {  	p0 =	seq.s32 s10, $0x1;
	s10 =	sld [smem:$0x3FB8];
	_ =	sdelay $0x3  }
0x34: {  	[smem:$0x3FB8] =	sst s10  }
0x35: {  	s10 =	sld [smem:$0x3FB7];
	_ =	sdelay $0x3  }
0x36: {  	p1 =	seq.s32 s10, $0x1;
	s10 =	sld [smem:$0x3FB8];
	_ =	sdelay $0x3  }
0x37: {  	[smem:$0x3FB8] =	sst s10  }
0x38: {  	s10 =	sld [smem:$0x3FB9]  }
0x39: {  	_ = 	snop;
	(pc) =	sbr.ind lr, $3  }
0x3a: {  	_ = 	snop  }
0x3b: {  	_ = 	snop  }
0x3c: {  	p2 =	seq.s32 s10, $0x1;
	s10 =	sld [smem:$0x3FB8]  }
0x3d: {  	_ =	shalt  }
0x3e: {  	_ =	shalt  }
0x3f: {  	_ =	shalt  }
0x40: {  	_ =	shalt  }
0x41: {  	_ =	shalt  }
0x42: {  	_ =	shalt  }
0x43: {  	_ =	shalt  }
0x44: {  	_ =	shalt  }
0x45: {  	_ =	shalt  }
0x46: {  	_ =	shalt  }
0x47: {  	_ =	shalt  }
0x48: {  	_ =	shalt  }
0x49: {  	_ =	shalt  }
0x4a: {  	_ =	shalt  }
0x4b: {  	_ =	shalt  }
0x4c: {  	_ =	shalt  }
0x4d: {  	_ =	shalt  }
0x4e: {  	_ =	shalt  }
0x4f: {  	_ =	shalt  }
0x50: {  	_ =	shalt  }
0x51: {  	_ =	shalt  }
0x52: {  	_ =	shalt  }
0x53: {  	_ =	shalt  }
0x54: {  	_ =	shalt  }
0x55: {  	_ =	shalt  }
0x56: {  	_ =	shalt  }
0x57: {  	_ =	shalt  }
0x58: {  	_ =	shalt  }
0x59: {  	_ =	shalt  }
0x5a: {  	_ =	shalt  }
0x5b: {  	_ =	shalt  }
0x5c: {  	_ =	shalt  }
0x5d: {  	_ =	shalt  }
0x5e: {  	_ =	shalt  }
0x5f: {  	_ =	shalt  }
0x60: {  	_ =	shalt  }
0x61: {  	_ =	shalt  }
0x62: {  	_ =	shalt  }
0x63: {  	_ =	shalt  }
0x64: {  	_ =	shalt  }
0x65: {  	_ =	shalt  }
0x66: {  	_ =	shalt  }
0x67: {  	_ =	shalt  }
0x68: {  	_ =	shalt  }
0x69: {  	_ =	shalt  }
0x6a: {  	_ =	shalt  }
0x6b: {  	_ =	shalt  }
0x6c: {  	_ =	shalt  }
0x6d: {  	_ =	shalt  }
0x6e: {  	_ =	shalt  }
0x6f: {  	_ =	shalt  }
0x70: {  	_ =	shalt  }
0x71: {  	_ =	shalt  }
0x72: {  	_ =	shalt  }
0x73: {  	_ =	shalt  }
0x74: {  	_ =	shalt  }
0x75: {  	_ =	shalt  }
0x76: {  	_ =	shalt  }
0x77: {  	_ =	shalt  }
0x78: {  	_ =	shalt  }
0x79: {  	_ =	shalt  }
0x7a: {  	_ =	shalt  }
0x7b: {  	_ =	shalt  }
0x7c: {  	_ =	shalt  }
0x7d: {  	_ =	shalt  }
0x7e: {  	_ =	shalt  }
0x7f: {  	_ =	shalt  }
0x80: {  	_ =	shalt  }
0x81: {  	_ =	shalt  }
0x82: {  	_ =	shalt  }
0x83: {  	_ =	shalt  }
0x84: {  	_ =	shalt  }
0x85: {  	_ =	shalt  }
0x86: {  	_ =	shalt  }
0x87: {  	_ =	shalt  }
.Lfunc_end0:
.L_simem_size_0:
called_computation_lowered:
.L_overlay_start_0:
0x88: {  	s2 =	sld [smem:$0x3FD9]  }
0x89: {  	s3 =	sld [smem:$0x3FFE];
	_ =	sdelay $0x1  }
0x8a: {  	s1 =	srdreg.scid  }
0x8b: {  	s0 =	sand.u32 $0x1, s1  }
0x8c: {  	s14 =	sshll.u32 s0, $0xA;
	s2 =	sadd.s32 s3, s2  }
0x8d: {  	s2 =	sadd.s32 s2, s14  }
0x8e: {  	[smem:$0x3FC4] =	sst s2  }
0x8f: {  	_ = 	snop  }
0x90: {  	s2 =	sld [smem:$0x3FD0];
	_ =	sdelay $0x2  }
0x91: {  	s15 =	simm.s32 $0xA;
	s4 =	simm.s32 $0x10  }
0x92: {  	[smem:s4], [sflag:s15] =	dma.local [hbm:s2], $0x1  }
0x93: {  	_ =	swait.eq [sflag:s15], $0x1  }
0x94: {  	[sflag:s15] =	ssyncset.done $0x0  }
0x95: {  	s16 =	sld [smem:$0x10];
	[sflag:s15] =	ssyncadd.s32 $0xFFFFFFFF  }
0x96: {  	s17 =	sld [smem:$0x11];
	(tm) =	ssettm $0x1  }
0x97: {  	s18 =	sld [smem:$0x3FFB];
	_ =	sdelay $0x3  }
0x98: {  	_ =	strace s18  }
0x99: {  	s4 =	sld [smem:$0x3FFC];
	_ =	sdelay $0x3  }
0x9a: {  	_ =	strace s4  }
0x9b: {  	s4 =	sld [smem:$0x3FFD];
	_ =	sdelay $0x3  }
0x9c: {  	_ =	strace s4  }
0x9d: {  	_ =	strace $0x8FFFFFFF  }
0x9e: {  	s19 =	sld [smem:$0x3FDB];
	_ =	sdelay $0x1  }
0x9f: {  	s5 =	simm.s32 $_scs_section_size  }
0xa0: {  	s6 =	simm.s32 $_size__tile_overlayer_lowered;
	s7 =	simm.s32 $_tile_overlayer_lowered  }
0xa1: {  	s22 =	simm.s32 $0x1BFF;
	s21 =	sshll.u32 s7, $0x1;
	s4 =	sadd.s32 s5, s19  }
0xa2: {  	s8 =	simm.s32 $0x0;
	s20 =	sshll.u32 s6, $0x1;
	s6 =	sadd.s32 s21, s4  }
0xa3: {  	[timem:s8], [sflag:s22] =	dma.local [hbm:s6], s20  }
0xa4: {  	_ =	swait.ge [sflag:s22], s20  }
0xa5: {  	s5 =	ssub.s32 $0x0, s20;
	[sflag:s22] =	ssyncset.done $0x0  }
0xa6: {  	[sflag:s22] =	ssyncadd.s32 s5;
	_ =	sdelay $0x1  }
0xa7: {  	s23 =	simm.s32 $0x1B8B  }
0xa8: {  	_ =	swait.ge [sflag:s23], $0x1  }
0xa9: {  	[sflag:s23] =	ssyncset.done $0x0  }
0xaa: {  	s25 =	simm.s32 $0x1B8E;
	s24 =	sld [smem:$0x3FFE];
	[sflag:s23] =	ssyncadd.s32 $0xFFFFFFFF  }
0xab: {  	s26 =	simm.s32 $execute0_lowered;
	[smem:$0x3FD2] =	sst s25  }
0xac: {  	s6 =	sshll.u32 s26, $0x1;
	_ =	strace $0x80000046;
	[dreg:$0x1] =	wrdreg $0xFFFFFFFF  }
0xad: {  	s28 =	simm.s32 $_size_execute0_lowered;
	s4 =	sadd.s32 s4, s6;
	[dreg:$0x0] =	wrdreg $0x0  }
0xae: {  	s6 =	sshll.u32 s28, $0x1;
	[dreg:$0x2] =	wrdreg s4  }
0xaf: {  	[dreg:$0x3] =	wrdreg s6  }
0xb0: {  	[dreg:$0x4] =	wrdreg $0xC0  }
0xb1: {  	_ =	task [dreg:s8], $0x5FFFF  }
0xb2: {  	[dreg:$0x1] =	wrdreg $0xFFFFFFFF  }
0xb3: {  	[dreg:$0x0] =	wrdreg $0x60  }
0xb4: {  	[dreg:$0x2] =	wrdreg s24  }
0xb5: {  	[dreg:$0x3] =	wrdreg s16  }
0xb6: {  	[dreg:$0x4] =	wrdreg s17  }
0xb7: {  	[dreg:$0x5] =	wrdreg $0x1A8000  }
0xb8: {  	[dreg:$0x6] =	wrdreg $0x1AA800  }
0xb9: {  	[dreg:$0x7] =	wrdreg $0x1AD000  }
0xba: {  	[dreg:$0x8] =	wrdreg $0x1AF800  }
0xbb: {  	[dreg:$0x9] =	wrdreg $0x9  }
0xbc: {  	_ =	task.clear_ibuf [dreg:s8], $0xAFFFF;
	_ =	strace $0x90000046  }
0xbd: {  	s29 =	simm.s32 $0x9;
	_ =	strace $0x80000048  }
0xbe: {  	_ =	swait.ge [sflag:s29], $0x1  }
0xbf: {  	[sflag:s29] =	ssyncadd.s32 $0xFFFFFFFF  }
0xc0: {  	_ =	strace $0x90000048  }
0xc1: {  	_ =	sfence  }
0xc2: {  	s30 =	sld [smem:$0x0];
	_ =	sdelay $0x2  }
0xc3: {  	s31 =	sshll.u32 s1, $0xD;
	s1 =	sshrl.u32 s1, $0x2  }
0xc4: {  	s3 =	sand.u32 $0x4000, s31;
	s1 =	sadd.s32 s1, s30  }
0xc5: {  	s0 =	sor.u32 s3, s0;
	s1 =	sshll.u32 s1, $0x11  }
0xc6: {  	s0 =	sor.u32 s1, s0  }
0xc7: {  	s0 =	sadd.s32 $0x8F2B, s0  }
0xc8: {  	[sflag:s0] =	ssyncadd.remote.s32 $0x1  }
0xc9: {  	_ =	sfence.sel $0xFFFF  }
0xca: {  	[dreg:$0x0] =	wrdreg $0xFFFFFFFF;
	(pc) =	sbr.abs _section_cstart, $3  }
0xcb: {  	[dreg:$0x1] =	wrdreg $0xFFFFFFFF  }
0xcc: {  	_ =	task.clear_ibuf [dreg:s8], $0x2FFFF;
	_ =	strace $0x9FFFFFFF  }
0xcd: {  	(tm) =	ssettm $0x7FFFFFFF  }
tec
execute0_lowered:
.L_overlay_start_1:
0x0: {  	(tag) =	ssettag $0x1  }
0x1: {  	s0 =	rddreg [dreg:$0x0]  }
0x2: {  	s1 =	rddreg [dreg:$0x2]  }
0x3: {  	s3 =	rddreg [dreg:$0x3]  }
0x4: {  	s4 =	rddreg [dreg:$0x4]  }
0x5: {  	s5 =	rddreg [dreg:$0x5]  }
0x6: {  	s6 =	rddreg [dreg:$0x6];
	s15 =	stileid.u32  }
0x7: {  	s7 =	simm.s32 $0x0;
	s9 =	srdreg.scid;
	s29 =	simm.s32 $0x19500  }
0x8: {  	s30 =	simm.s32 $0x19780;
	s31 =	simm.s32 $0x1A780;
	s2 =	smul.u32 $0xA00, s15  }
0x9: {  	[smem:$0x7FF] =	sst s7;
	s8 =	smul.u32 $0x280, s15;
	s10 =	sadd.s32 $0x14600, s0  }
0xa: {  	s11 =	sadd.s32 $0x14800, s0;
	_ =	strace $0x80000047;
	[dreg:$0x8] =	wrdreg s10  }
0xb: {  	s9 =	sand.u32 $0x1, s9;
	s14 =	sshll.u32 s15, $0x3;
	[dreg:$0x9] =	wrdreg s11  }
0xc: {  	s24 =	ssub.s32 $0x2, s9;
	s11 =	sshll.u32 s15, $0x6;
	p0 =	sne.s32 s9, $0x0  }
0xd: {  	s2 =	sadd.s32 s2, s0;
	s23 =	sshrl.u32 s8, $0x3;
	s13 =	sshrl.u32 s24, $0x1  }
0xe: {  	s16 =	sor.u32 $0x10, s11;
	s15 =	sor.u32 $0x30, s11;
	s22 =	sadd.s32 s8, s3  }
0xf: {  	s12 =	sadd.s32 s23, s0;
	[dreg:$0xb] =	wrdreg s16;
	s26 =	sadd.s32 $0x600, s2  }
0x10: {  	s0 =	sadd.s32 $0x15000, s0;
	s2 =	sadd.s32 $0xA600, s2;
	[dreg:$0xf] =	wrdreg s26  }
0x11: {  	s13 =	ssub.s32 s24, s13;
	s10 =	sadd.s32 s1, s23;
	[dreg:$0x10] =	wrdreg s2  }
0x12: {  	s16 =	sshrl.u32 s16, $0x3;
	s24 =	sor.u32 $0x14000, s8;
	[dreg:$0x11] =	wrdreg s10  }
0x13: {  	s28 =	sadd.s32 s8, s6;
	s16 =	sadd.s32 s0, s16;
	[dreg:$0x18] =	wrdreg s24  }
0x14: {  	s18 =	sshrl.u32 s15, $0x3;
	s12 =	sadd.s32 $0x14A00, s12;
	[dreg:$0xc] =	wrdreg s16  }
0x15: {  	s23 =	sadd.s32 s8, s4;
	s19 =	sadd.s32 s0, s14;
	[dreg:$0x12] =	wrdreg s12  }
0x16: {  	s1 =	simm.s32 $0x0;
	s16 =	smax.u32 s13, $0x1;
	[dreg:$0xa] =	wrdreg s19  }
0x17: {  	s14 =	sor.u32 $0x20, s11;
	s20 =	sadd.s32 $0x84, s19;
	[dreg:$0x13] =	wrdreg s16  }
0x18: {  	s17 =	sshrl.u32 s14, $0x3;
	s21 =	sadd.s32 $0x86, s19;
	[dreg:$0x16] =	wrdreg s20  }
0x19: {  	s26 =	sadd.s32 s8, s5;
	s25 =	sadd.s32 s0, s17;
	[dreg:$0x17] =	wrdreg s21  }
.Ltmp0:
0x1a: {  	v0 =	vlaneseq.u32;
	s0 =	sadd.s32 s0, s18;
	[dreg:$0xd] =	wrdreg s25;
	(pc) =	sbr.rel .LBB2_1-.Ltmp0, $4  }
0x1b: {  	v1 =	vmul.u32 $0xFFFFFFFF, v0;
	s24 =	simm.s32 $0x80;
	s17 =	sadd.s32 $0x80, s19;
	[dreg:$0xe] =	wrdreg s0  }
0x1c: {  	v0 =	vimm.f32 $0.0e+00;
	s18 =	sadd.s32 $0x82, s19;
	s16 =	simm.s32 $0x1;
	[dreg:$0x14] =	wrdreg s17  }
0x1d: {  	v4 =	vadd.s32 $0x3E8, v1;
	v3 =	vmov s15;
	v2 =	vmov s14;
	s21 =	simm.s32 $0x19C80;
	[dreg:$0x15] =	wrdreg s18;
	s25 =	sadd.s32 $0x16800, s8  }
0x1e: {  	v1 =	vimm.f32 $1.000000000e+00;
	vm0 =	vlt.u32 v3, v4;
	vm1 =	vlt.u32 v2, v4;
	s17 =	simm.s32 $0x16800;
	s18 =	simm.s32 $0x14000;
	[dreg:$0x19] =	wrdreg s25  }
.LBB2_21:
0x1f: {  	v2 =	vld [tilespmem:s11+$0x1A300];
	_ =	sdelay $0x7  }
0x20: {  	v2 =	vld.idx.msk [tilespmem:v2+s18+$0x0], $0xffff;
	_ =	sdelay $0x4  }
0x21: {  	v2 =	vmax.f32 v2, $9.999999970e-07  }
0x22: {  	s0 =	rddreg [dreg:$0xb];
	[tilespmem:$0x1A780] =	vst v2  }
0x23: {  	v2 =	vld [tilespmem:s0+$0x19F00];
	_ =	sdelay $0x7  }
0x24: {  	v2 =	vld.idx.msk [tilespmem:v2+s17+$0x0], $0xffff;
	_ =	sdelay $0x4  }
0x25: {  	v2 =	vmax.f32 v2, $9.999999970e-07  }
0x26: {  	[tilespmem:$0x1A780] =	vst v2  }
0x27: {  	v2 =	vld [tilespmem:s0+$0x1A300];
	_ =	sdelay $0x7  }
0x28: {  	v2 =	vld.idx.msk [tilespmem:v2+s18+$0x0], $0xffff;
	_ =	sdelay $0x4  }
0x29: {  	v2 =	vmax.f32 v2, $9.999999970e-07  }
0x2a: {  	[tilespmem:$0x1A780] =	vst v2  }
0x2b: {  	v2 =	vld [tilespmem:s14+$0x19F00];
	_ =	sdelay $0x7  }
0x2c: {  	v2 =	vld.idx.msk [tilespmem:v2+s17+$0x0], $0xffff;
	_ =	sdelay $0x4  }
0x2d: {  	v2 =	vmax.f32 v2, $9.999999970e-07  }
0x2e: {  	v2 =	vnsel vm1, $0x3F800000, v2  }
0x2f: {  	[tilespmem:$0x1A780] =	vst v2  }
0x30: {  	v2 =	vld [tilespmem:s14+$0x1A300];
	_ =	sdelay $0x7  }
0x31: {  	v2 =	vld.idx.msk [tilespmem:v2+s18+$0x0], $0xffff;
	_ =	sdelay $0x4  }
0x32: {  	v2 =	vmax.f32 v2, $9.999999970e-07  }
0x33: {  	v2 =	vnsel vm1, $0x3F800000, v2  }
0x34: {  	[tilespmem:$0x1A780] =	vst v2  }
0x35: {  	v2 =	vld [tilespmem:s15+$0x19F00];
	_ =	sdelay $0x7  }
0x36: {  	v2 =	vld.idx.msk [tilespmem:v2+s17+$0x0], $0xffff;
	_ =	sdelay $0x4  }
0x37: {  	v2 =	vmax.f32 v2, $9.999999970e-07  }
0x38: {  	v2 =	vnsel vm0, $0x3F800000, v2  }
0x39: {  	[tilespmem:$0x1A780] =	vst v2  }
0x3a: {  	v2 =	vld [tilespmem:s15+$0x1A300];
	_ =	sdelay $0x7  }
0x3b: {  	v2 =	vld.idx.msk [tilespmem:v2+s18+$0x0], $0xffff;
	_ =	sdelay $0x4  }
0x3c: {  	v2 =	vmax.f32 v2, $9.999999970e-07  }
0x3d: {  	v2 =	vnsel vm0, $0x3F800000, v2  }
0x3e: {  	[tilespmem:$0x1A780] =	vst v2  }
.LBB2_22:
0x3f: {  	s1 =	sadd.s32 $0x1, s1;
	s0 =	rddreg [dreg:$0x13]  }
0x40: {  	p1 =	sne.s32 s1, s0  }
.Ltmp1:
0x41: {  	_ = 	snop;
	(pc) =	sbr.rel @!p1 .LBB2_23-.Ltmp1, $1  }
0x42: {  	_ =	sdelay $0x3  }
.LBB2_1:
0x43: {  	s0 =	rddreg [dreg:$0xf]  }
0x44: {  	[tilespmem:s7], [sflag:$0x1] =	stream.linear.gather [hbm4b:s0+s7], $0x4E80, $0x38;
	[tilespmem:$0x1B200] =	vst v63  }
0x45: {  	_ =	swait.ge [sflag:s16], $0x4E80  }
0x46: {  	[sflag:s16] =	ssyncset.done $0x0  }
0x47: {  	s2 =	simm.s32 $0x5000;
	s9 =	rddreg [dreg:$0x10];
	[sflag:s16] =	ssyncadd.s32 $0xFFFFB180  }
0x48: {  	[tilespmem:s2], [sflag:$0x1] =	stream.linear.gather [hbm4b:s9+s7], $0x4E80, $0x38;
	[tilespmem:$0x1B200] =	vst v63  }
0x49: {  	_ =	swait.ge [sflag:s16], $0x4E80  }
0x4a: {  	[sflag:s16] =	ssyncset.done $0x0  }
0x4b: {  	s12 =	simm.s32 $0x19F00;
	s10 =	rddreg [dreg:$0x8];
	[sflag:s16] =	ssyncadd.s32 $0xFFFFB180  }
0x4c: {  	[tilespmem:s12], [sflag:$0x1] =	stream.linear.gather [hbm4b:s10+s7], $0x400, $0x38;
	[tilespmem:$0x1B200] =	vst v63  }
0x4d: {  	_ =	swait.ge [sflag:s16], $0x400  }
0x4e: {  	[sflag:s16] =	ssyncset.done $0x0  }
0x4f: {  	s19 =	simm.s32 $0x1A300;
	s13 =	rddreg [dreg:$0x9];
	[sflag:s16] =	ssyncadd.s32 $0xFFFFFC00  }
0x50: {  	[tilespmem:s19], [sflag:$0x1] =	stream.linear.gather [hbm4b:s13+s7], $0x400, $0x38;
	[tilespmem:$0x1B200] =	vst v63  }
0x51: {  	_ =	swait.ge [sflag:s16], $0x400  }
0x52: {  	[sflag:s16] =	ssyncset.done $0x0  }
0x53: {  	[sflag:s16] =	ssyncadd.s32 $0xFFFFFC00  }
0x54: {  	s25 =	simm.s32 $0x1A700;
	s20 =	rddreg [dreg:$0x1]  }
0x55: {  	[tilespmem:s25], [sflag:$0x1] =	stream.linear.gather [hbm4b:s20+s7], $0x80, $0x38;
	[tilespmem:$0x1B200] =	vst v63  }
0x56: {  	_ =	swait.ge [sflag:s16], $0x80  }
0x57: {  	[sflag:s16] =	ssyncset.done $0x0  }
0x58: {  	[sflag:s16] =	ssyncadd.s32 $0xFFFFFF80  }
0x59: {  	[tilespmem:$0x19C80] =	vst v0  }
0x5a: {  	[tilespmem:$0x19C90] =	vst v0  }
0x5b: {  	[tilespmem:$0x19CA0] =	vst v0  }
0x5c: {  	[tilespmem:$0x19CB0] =	vst v0  }
0x5d: {  	[tilespmem:$0x19CC0] =	vst v0  }
0x5e: {  	[tilespmem:$0x19CD0] =	vst v0  }
0x5f: {  	[tilespmem:$0x19CE0] =	vst v0  }
0x60: {  	[tilespmem:$0x19CF0] =	vst v0  }
0x61: {  	[tilespmem:$0x19D00] =	vst v0  }
0x62: {  	[tilespmem:$0x19D10] =	vst v0  }
0x63: {  	[tilespmem:$0x19D20] =	vst v0  }
0x64: {  	[tilespmem:$0x19D30] =	vst v0  }
0x65: {  	[tilespmem:$0x19D40] =	vst v0  }
0x66: {  	[tilespmem:$0x19D50] =	vst v0  }
0x67: {  	[tilespmem:$0x19D60] =	vst v0  }
0x68: {  	[tilespmem:$0x19D70] =	vst v0  }
0x69: {  	[tilespmem:$0x19D80] =	vst v0  }
0x6a: {  	[tilespmem:$0x19D90] =	vst v0  }
0x6b: {  	[tilespmem:$0x19DA0] =	vst v0  }
0x6c: {  	[tilespmem:$0x19DB0] =	vst v0  }
0x6d: {  	[tilespmem:$0x19DC0] =	vst v0  }
0x6e: {  	[tilespmem:$0x19DD0] =	vst v0  }
0x6f: {  	[tilespmem:$0x19DE0] =	vst v0  }
0x70: {  	[tilespmem:$0x19DF0] =	vst v0  }
0x71: {  	[tilespmem:$0x19E00] =	vst v0  }
0x72: {  	[tilespmem:$0x19E10] =	vst v0  }
0x73: {  	[tilespmem:$0x19E20] =	vst v0  }
0x74: {  	[tilespmem:$0x19E30] =	vst v0  }
0x75: {  	[tilespmem:$0x19E40] =	vst v0  }
0x76: {  	[tilespmem:$0x19E50] =	vst v0  }
0x77: {  	[tilespmem:$0x19E60] =	vst v0  }
0x78: {  	[tilespmem:$0x19E70] =	vst v0  }
0x79: {  	[tilespmem:$0x19E80] =	vst v0  }
0x7a: {  	[tilespmem:$0x19E90] =	vst v0  }
0x7b: {  	[tilespmem:$0x19EA0] =	vst v0  }
0x7c: {  	[tilespmem:$0x19EB0] =	vst v0  }
0x7d: {  	[tilespmem:$0x19EC0] =	vst v0  }
0x7e: {  	[tilespmem:$0x19ED0] =	vst v0  }
0x7f: {  	[tilespmem:$0x19EE0] =	vst v0  }
0x80: {  	s0 =	simm.s32 $0x0;
	v2 =	vld [tilespmem:$0x1A700];
	[tilespmem:$0x19EF0] =	vst v0  }
.LBB2_2:
0x81: {  	p1 =	sne.s32 s0, $0x9FC0  }
.Ltmp2:
0x82: {  	_ = 	snop;
	(pc) =	sbr.rel @p1 .LBB2_2-.Ltmp2, $4  }
0x83: {  	_ = 	snop  }
0x84: {  	s2 =	sshra.s32 s0, $0x2  }
0x85: {  	[tilespmem:s2+$0x14000] =	vst v0  }
0x86: {  	s0 =	sadd.s32 $0x40, s0;
	[tilespmem:s2+$0x16800] =	vst v0  }
0x87: {  	s2 =	simm.s32 $0x0;
	s0 =	simm.s32 $0x40  }
.LBB2_4:
0x88: {  	p1 =	sne.s32 s0, $0xFC0;
	v3 =	vld [tilespmem:s2+$0x19F00];
	_ =	sdelay $0x7  }
0x89: {  	[tilespmem:v3+s17+$0x0] =	vst.idx.msk $0xffff, v1  }
0x8a: {  	v3 =	vld [tilespmem:s2+$0x1A300];
	_ =	sdelay $0x3  }
.Ltmp3:
0x8b: {  	(pc) =	sbr.rel @p1 .LBB2_4-.Ltmp3, $2  }
0x8c: {  	_ =	sdelay $0x2  }
0x8d: {  	s2 =	sshra.s32 s0, $0x2;
	s0 =	sadd.s32 $0x40, s0;
	[tilespmem:v3+s18+$0x0] =	vst.idx.msk $0xffff, v1  }
0x8e: {  	v3 =	vld [tilespmem:s2+$0x19F00];
	_ =	sdelay $0x7  }
0x8f: {  	[tilespmem:v3+s17+$0x0] =	vst.idx.msk $0xffff, v1  }
0x90: {  	v3 =	vld [tilespmem:s2+$0x1A300];
	_ =	sdelay $0x7  }
0x91: {  	[tilespmem:v3+s18+$0x0] =	vst.idx.msk $0xffff, v1  }
0x92: {  	[spmem:s22] =	stream.linear.scatter [tilespmem:s21], [sflag:$0x1], $0x280, $0x38;
	[tilespmem:$0x1B200] =	vst v63  }
0x93: {  	_ =	swait.ge [sflag:s16], $0x280  }
0x94: {  	[sflag:s16] =	ssyncset.done $0x0  }
0x95: {  	[sflag:s16] =	ssyncadd.s32 $0xFFFFFD80  }
0x96: {  	[spmem:s23] =	stream.linear.scatter [tilespmem:s21], [sflag:$0x1], $0x280, $0x38;
	[tilespmem:$0x1B200] =	vst v63  }
0x97: {  	_ =	swait.ge [sflag:s16], $0x280  }
0x98: {  	[sflag:s16] =	ssyncset.done $0x0  }
0x99: {  	[sflag:s16] =	ssyncadd.s32 $0xFFFFFD80  }
0x9a: {  	s0 =	simm.s32 $0x0;
	s2 =	simm.s32 $0x200;
	[bflag:$0x0] =	sbarrier.arrive $0xFFFF  }
.LBB2_6:
0x9b: {  	p1 =	sne.s32 s2, $0x13800;
	[tilespmem:s0+$0xA070] =	vst v1  }
0x9c: {  	[tilespmem:s0+$0xA000] =	vst v1  }
0x9d: {  	[tilespmem:s0+$0xA010] =	vst v1  }
.Ltmp4:
0x9e: {  	[tilespmem:s0+$0xA020] =	vst v1;
	(pc) =	sbr.rel @p1 .LBB2_6-.Ltmp4, $4  }
0x9f: {  	[tilespmem:s0+$0xA030] =	vst v1  }
0xa0: {  	[tilespmem:s0+$0xA040] =	vst v1  }
0xa1: {  	[tilespmem:s0+$0xA050] =	vst v1  }
0xa2: {  	[tilespmem:s0+$0xA060] =	vst v1;
	s0 =	sshra.s32 s2, $0x2;
	s2 =	sadd.s32 $0x200, s2  }
0xa3: {  	[tilespmem:s0+$0xA070] =	vst v1  }
0xa4: {  	[tilespmem:s0+$0xA000] =	vst v1  }
0xa5: {  	[tilespmem:s0+$0xA010] =	vst v1  }
0xa6: {  	[tilespmem:s0+$0xA020] =	vst v1  }
0xa7: {  	[tilespmem:s0+$0xA030] =	vst v1  }
0xa8: {  	[tilespmem:s0+$0xA040] =	vst v1  }
0xa9: {  	[tilespmem:s0+$0xA050] =	vst v1  }
0xaa: {  	[tilespmem:s0+$0xA060] =	vst v1;
	s25 =	simm.s32 $0x0;
	s2 =	simm.s32 $0xA000  }
0xab: {  	[spmem:s3] =	stream.indirect.scatter.add.f32 [tilespmem:s2], [sflag:$0x1], $0x1, s25, s24, $0xb8;
	[tilespmem:$0x1B200] =	vst v63  }
0xac: {  	s0 =	simm.s32 $0x200;
	_ =	swait.ge [sflag:s16], $0x80  }
.LBB2_8:
0xad: {  	s2 =	sshra.s32 s0, $0x2;
	[sflag:s16] =	ssyncset.done $0x0;
	p1 =	sne.s32 s0, $0x13800  }
.Ltmp5:
0xae: {  	s9 =	sadd.s32 $0xA000, s2;
	[sflag:s16] =	ssyncadd.s32 $0xFFFFFF80;
	(pc) =	sbr.rel @p1 .LBB2_8-.Ltmp5, $3  }
0xaf: {  	[spmem:s3] =	stream.indirect.scatter.add.f32 [tilespmem:s9], [sflag:$0x1], $0x1, s2, s24, $0xb8;
	[tilespmem:$0x1B200] =	vst v63  }
0xb0: {  	s0 =	sadd.s32 $0x200, s0;
	_ =	sdelay $0x1  }
0xb1: {  	_ =	swait.ge [sflag:s16], $0x80  }
0xb2: {  	[sflag:s16] =	ssyncset.done $0x0  }
0xb3: {  	[sflag:s16] =	ssyncadd.s32 $0xFFFFFF80  }
0xb4: {  	s0 =	simm.s32 $0x19000;
	[bflag:$0x0] =	sbarrier.arrive $0xFFFF  }
0xb5: {  	[tilespmem:s0], [sflag:$0x1] =	stream.linear.gather [spmem:s22], $0x280, $0x38;
	[tilespmem:$0x1B200] =	vst v63  }
0xb6: {  	_ =	swait.ge [sflag:s16], $0x280  }
0xb7: {  	[sflag:s16] =	ssyncset.done $0x0  }
0xb8: {  	s0 =	simm.s32 $0x0;
	[sflag:s16] =	ssyncadd.s32 $0xFFFFFD80  }
0xb9: {  	v3 =	vld [tilespmem:s0+$0x19000];
	_ =	sdelay $0x4  }
0xba: {  	s2 =	simm.s32 $0x10;
	v4 =	vmax.f32 v3, $9.999999960e-13  }
0xbb: {  	v3 =	vld [tilespmem:s2+$0x19000];
	(erf) = vrcp.f32 v4;
	_ =	sdelay $0x3  }
0xbc: {  	s9 =	simm.s32 $0x80  }
.LBB2_10:
0xbd: {  	s10 =	sshra.s32 s9, $0x2;
	p1 =	sne.s32 s9, $0x9C0;
	s9 =	sadd.s32 $0x40, s9;
	v4 =	vmax.f32 v3, $9.999999960e-13  }
.Ltmp6:
0xbe: {  	v3 =	vld [tilespmem:s10+$0x19000];
	(erf) = vrcp.f32 v4;
	(pc) =	sbr.rel @p1 .LBB2_10-.Ltmp6, $3  }
0xbf: {  	_ =	sdelay $0x1  }
0xc0: {  	v4 =	vpop (erf)  }
0xc1: {  	[tilespmem:s0+$0x19A00] =	vst v4;
	s0 =	smov.u32 s2;
	s2 =	smov.u32 s10  }
0xc2: {  	v2 =	vsub.f32 $0.0e+00, v2;
	_ =	sdelay $0x1  }
0xc3: {  	v3 =	vmax.f32 v3, $9.999999960e-13;
	v2 =	vmul.f32 $1.442695020e+00, v2  }
0xc4: {  	(erf) = vrcp.f32 v3  }
0xc5: {  	(erf) = vpow2.f32 v2;
	_ =	sdelay $0x6  }
0xc6: {  	v2 =	vpop (erf)  }
0xc7: {  	v3 =	vpop (erf)  }
0xc8: {  	v4 =	vpop (erf)  }
0xc9: {  	v4 =	vadd.f32 $1.000000000e+00, v4;
	_ =	sdelay $0x1  }
0xca: {  	(erf) = vrcp.f32 v4;
	_ =	sdelay $0x6  }
0xcb: {  	[tilespmem:s0+$0x19A00] =	vst v2  }
0xcc: {  	[tilespmem:s2+$0x19A00] =	vst v3  }
0xcd: {  	[spmem:s22] =	stream.linear.scatter [tilespmem:s21], [sflag:$0x1], $0x280, $0x38;
	v2 =	vpop (erf);
	[tilespmem:$0x1B200] =	vst v63  }
0xce: {  	_ =	swait.ge [sflag:s16], $0x280  }
0xcf: {  	[sflag:s16] =	ssyncset.done $0x0  }
0xd0: {  	[sflag:s16] =	ssyncadd.s32 $0xFFFFFD80  }
0xd1: {  	s2 =	simm.s32 $0x0;
	v3 =	vsub.f32 $1.000000000e+00, v2;
	[bflag:$0x0] =	sbarrier.arrive $0xFFFF  }
.LBB2_12:
0xd2: {  	s0 =	simm.s32 $0x0  }
0xd3: {  	v4 =	vld [tilespmem:s0+$0x5000];
	_ =	sdelay $0x7  }
0xd4: {  	v5 =	vld.idx.msk [tilespmem:v4+s18+$0x0], $0xffff;
	_ =	sdelay $0x4  }
0xd5: {  	[tilespmem:s0+$0xA000] =	vst v5;
	v5 =	vld [tilespmem:s0+$0x5010];
	_ =	sdelay $0x1  }
0xd6: {  	v4 =	vld.idx.msk [tilespmem:v4+s17+$0x0], $0xffff;
	_ =	sdelay $0x4  }
0xd7: {  	[tilespmem:s0+$0xF000] =	vst v4  }
0xd8: {  	v4 =	vld.idx.msk [tilespmem:v5+s18+$0x0], $0xffff;
	_ =	sdelay $0x4  }
0xd9: {  	[tilespmem:s0+$0xA010] =	vst v4;
	v4 =	vld [tilespmem:s0+$0x5020];
	_ =	sdelay $0x1  }
0xda: {  	v5 =	vld.idx.msk [tilespmem:v5+s17+$0x0], $0xffff;
	_ =	sdelay $0x4  }
0xdb: {  	[tilespmem:s0+$0xF010] =	vst v5  }
0xdc: {  	v5 =	vld.idx.msk [tilespmem:v4+s18+$0x0], $0xffff;
	_ =	sdelay $0x4  }
0xdd: {  	[tilespmem:s0+$0xA020] =	vst v5;
	v5 =	vld [tilespmem:s0+$0x5030];
	_ =	sdelay $0x1  }
0xde: {  	v4 =	vld.idx.msk [tilespmem:v4+s17+$0x0], $0xffff;
	_ =	sdelay $0x4  }
0xdf: {  	[tilespmem:s0+$0xF020] =	vst v4  }
0xe0: {  	v4 =	vld.idx.msk [tilespmem:v5+s18+$0x0], $0xffff;
	_ =	sdelay $0x4  }
0xe1: {  	[tilespmem:s0+$0xA030] =	vst v4;
	v4 =	vld [tilespmem:s0+$0x5040];
	_ =	sdelay $0x1  }
0xe2: {  	v5 =	vld.idx.msk [tilespmem:v5+s17+$0x0], $0xffff;
	_ =	sdelay $0x4  }
0xe3: {  	[tilespmem:s0+$0xF030] =	vst v5  }
0xe4: {  	v5 =	vld.idx.msk [tilespmem:v4+s18+$0x0], $0xffff;
	_ =	sdelay $0x4  }
0xe5: {  	[tilespmem:s0+$0xA040] =	vst v5;
	v5 =	vld [tilespmem:s0+$0x5050];
	_ =	sdelay $0x1  }
0xe6: {  	v4 =	vld.idx.msk [tilespmem:v4+s17+$0x0], $0xffff;
	_ =	sdelay $0x4  }
0xe7: {  	[tilespmem:s0+$0xF040] =	vst v4  }
0xe8: {  	v4 =	vld.idx.msk [tilespmem:v5+s18+$0x0], $0xffff;
	_ =	sdelay $0x3  }
0xe9: {  	v6 =	vld [tilespmem:s0+$0x5060]  }
0xea: {  	[tilespmem:s0+$0xA050] =	vst v4  }
0xeb: {  	v4 =	vld.idx.msk [tilespmem:v5+s17+$0x0], $0xffff;
	_ =	sdelay $0x4  }
0xec: {  	[tilespmem:s0+$0xF050] =	vst v4  }
0xed: {  	v4 =	vld.idx.msk [tilespmem:v6+s18+$0x0], $0xffff;
	_ =	sdelay $0x4  }
0xee: {  	[tilespmem:s0+$0xA060] =	vst v4;
	v4 =	vld [tilespmem:s0+$0x5070];
	_ =	sdelay $0x1  }
0xef: {  	v5 =	vld.idx.msk [tilespmem:v6+s17+$0x0], $0xffff;
	_ =	sdelay $0x4  }
0xf0: {  	[tilespmem:s0+$0xF060] =	vst v5  }
0xf1: {  	v5 =	vld.idx.msk [tilespmem:v4+s18+$0x0], $0xffff;
	_ =	sdelay $0x3  }
0xf2: {  	s9 =	simm.s32 $0x80;
	s12 =	simm.s32 $0x400  }
.LBB2_13:
0xf3: {  	p1 =	sne.s32 s12, $0x13800;
	v6 =	vld [tilespmem:s9+$0x5000];
	[tilespmem:s0+$0xA070] =	vst v5  }
0xf4: {  	v4 =	vld.idx.msk [tilespmem:v4+s17+$0x0], $0xffff;
	_ =	sdelay $0x5  }
0xf5: {  	[tilespmem:s0+$0xF070] =	vst v4;
	s0 =	smov.u32 s9  }
0xf6: {  	v4 =	vld.idx.msk [tilespmem:v6+s18+$0x0], $0xffff;
	_ =	sdelay $0x5  }
0xf7: {  	[tilespmem:s0+$0xA000] =	vst v4;
	v4 =	vld [tilespmem:s0+$0x5010]  }
0xf8: {  	v5 =	vld.idx.msk [tilespmem:v6+s17+$0x0], $0xffff;
	_ =	sdelay $0x5  }
0xf9: {  	[tilespmem:s0+$0xF000] =	vst v5  }
0xfa: {  	v5 =	vld.idx.msk [tilespmem:v4+s18+$0x0], $0xffff;
	_ =	sdelay $0x5  }
0xfb: {  	[tilespmem:s0+$0xA010] =	vst v5;
	v5 =	vld [tilespmem:s0+$0x5020]  }
0xfc: {  	v4 =	vld.idx.msk [tilespmem:v4+s17+$0x0], $0xffff;
	_ =	sdelay $0x5  }
0xfd: {  	[tilespmem:s0+$0xF010] =	vst v4  }
0xfe: {  	v4 =	vld.idx.msk [tilespmem:v5+s18+$0x0], $0xffff;
	_ =	sdelay $0x5  }
0xff: {  	[tilespmem:s0+$0xA020] =	vst v4;
	v4 =	vld [tilespmem:s0+$0x5030]  }
0x100: {  	v5 =	vld.idx.msk [tilespmem:v5+s17+$0x0], $0xffff;
	_ =	sdelay $0x5  }
0x101: {  	[tilespmem:s0+$0xF020] =	vst v5  }
0x102: {  	v5 =	vld.idx.msk [tilespmem:v4+s18+$0x0], $0xffff;
	_ =	sdelay $0x5  }
0x103: {  	[tilespmem:s0+$0xA030] =	vst v5;
	v5 =	vld [tilespmem:s0+$0x5040]  }
0x104: {  	v4 =	vld.idx.msk [tilespmem:v4+s17+$0x0], $0xffff;
	_ =	sdelay $0x5  }
0x105: {  	[tilespmem:s0+$0xF030] =	vst v4  }
0x106: {  	v4 =	vld.idx.msk [tilespmem:v5+s18+$0x0], $0xffff;
	_ =	sdelay $0x5  }
0x107: {  	[tilespmem:s0+$0xA040] =	vst v4;
	v4 =	vld [tilespmem:s0+$0x5050]  }
0x108: {  	v5 =	vld.idx.msk [tilespmem:v5+s17+$0x0], $0xffff;
	_ =	sdelay $0x5  }
0x109: {  	[tilespmem:s0+$0xF040] =	vst v5  }
0x10a: {  	v5 =	vld.idx.msk [tilespmem:v4+s18+$0x0], $0xffff;
	_ =	sdelay $0x5  }
0x10b: {  	[tilespmem:s0+$0xA050] =	vst v5;
	v5 =	vld [tilespmem:s0+$0x5060]  }
0x10c: {  	v4 =	vld.idx.msk [tilespmem:v4+s17+$0x0], $0xffff;
	_ =	sdelay $0x5  }
0x10d: {  	[tilespmem:s0+$0xF050] =	vst v4  }
0x10e: {  	v4 =	vld.idx.msk [tilespmem:v5+s18+$0x0], $0xffff;
	_ =	sdelay $0x5  }
0x10f: {  	[tilespmem:s0+$0xA060] =	vst v4;
	v4 =	vld [tilespmem:s0+$0x5070]  }
0x110: {  	v5 =	vld.idx.msk [tilespmem:v5+s17+$0x0], $0xffff;
	_ =	sdelay $0x5  }
0x111: {  	[tilespmem:s0+$0xF060] =	vst v5  }
0x112: {  	v5 =	vld.idx.msk [tilespmem:v4+s18+$0x0], $0xffff  }
.Ltmp7:
0x113: {  	(pc) =	sbr.rel @p1 .LBB2_13-.Ltmp7, $2  }
0x114: {  	_ =	sdelay $0x2  }
0x115: {  	s9 =	sshra.s32 s12, $0x2;
	s12 =	sadd.s32 $0x200, s12  }
0x116: {  	_ =	sdelay $0x1  }
0x117: {  	v6 =	vld [tilespmem:s9+$0x5000]  }
0x118: {  	[tilespmem:s0+$0xA070] =	vst v5  }
0x119: {  	v4 =	vld.idx.msk [tilespmem:v4+s17+$0x0], $0xffff;
	_ =	sdelay $0x4  }
0x11a: {  	[tilespmem:s0+$0xF070] =	vst v4  }
0x11b: {  	v4 =	vld.idx.msk [tilespmem:v6+s18+$0x0], $0xffff;
	_ =	sdelay $0x4  }
0x11c: {  	[tilespmem:s9+$0xA000] =	vst v4;
	v4 =	vld [tilespmem:s9+$0x5010];
	_ =	sdelay $0x1  }
0x11d: {  	v5 =	vld.idx.msk [tilespmem:v6+s17+$0x0], $0xffff;
	_ =	sdelay $0x4  }
0x11e: {  	[tilespmem:s9+$0xF000] =	vst v5  }
0x11f: {  	v5 =	vld.idx.msk [tilespmem:v4+s18+$0x0], $0xffff;
	_ =	sdelay $0x4  }
0x120: {  	[tilespmem:s9+$0xA010] =	vst v5;
	v5 =	vld [tilespmem:s9+$0x5020];
	_ =	sdelay $0x1  }
0x121: {  	v4 =	vld.idx.msk [tilespmem:v4+s17+$0x0], $0xffff;
	_ =	sdelay $0x4  }
0x122: {  	[tilespmem:s9+$0xF010] =	vst v4  }
0x123: {  	v4 =	vld.idx.msk [tilespmem:v5+s18+$0x0], $0xffff;
	_ =	sdelay $0x4  }
0x124: {  	[tilespmem:s9+$0xA020] =	vst v4;
	v4 =	vld [tilespmem:s9+$0x5030];
	_ =	sdelay $0x1  }
0x125: {  	v5 =	vld.idx.msk [tilespmem:v5+s17+$0x0], $0xffff;
	_ =	sdelay $0x4  }
0x126: {  	[tilespmem:s9+$0xF020] =	vst v5  }
0x127: {  	v5 =	vld.idx.msk [tilespmem:v4+s18+$0x0], $0xffff;
	_ =	sdelay $0x4  }
0x128: {  	[tilespmem:s9+$0xA030] =	vst v5;
	v5 =	vld [tilespmem:s9+$0x5040];
	_ =	sdelay $0x1  }
0x129: {  	v4 =	vld.idx.msk [tilespmem:v4+s17+$0x0], $0xffff;
	_ =	sdelay $0x4  }
0x12a: {  	[tilespmem:s9+$0xF030] =	vst v4  }
0x12b: {  	v4 =	vld.idx.msk [tilespmem:v5+s18+$0x0], $0xffff;
	_ =	sdelay $0x4  }
0x12c: {  	[tilespmem:s9+$0xA040] =	vst v4;
	v4 =	vld [tilespmem:s9+$0x5050];
	_ =	sdelay $0x1  }
0x12d: {  	v5 =	vld.idx.msk [tilespmem:v5+s17+$0x0], $0xffff;
	_ =	sdelay $0x4  }
0x12e: {  	[tilespmem:s9+$0xF040] =	vst v5  }
0x12f: {  	v5 =	vld.idx.msk [tilespmem:v4+s18+$0x0], $0xffff;
	_ =	sdelay $0x4  }
0x130: {  	[tilespmem:s9+$0xA050] =	vst v5;
	v5 =	vld [tilespmem:s9+$0x5060];
	_ =	sdelay $0x1  }
0x131: {  	v4 =	vld.idx.msk [tilespmem:v4+s17+$0x0], $0xffff;
	_ =	sdelay $0x4  }
0x132: {  	[tilespmem:s9+$0xF050] =	vst v4  }
0x133: {  	v4 =	vld.idx.msk [tilespmem:v5+s18+$0x0], $0xffff;
	_ =	sdelay $0x4  }
0x134: {  	[tilespmem:s9+$0xA060] =	vst v4;
	v4 =	vld [tilespmem:s9+$0x5070];
	_ =	sdelay $0x1  }
0x135: {  	v5 =	vld.idx.msk [tilespmem:v5+s17+$0x0], $0xffff;
	_ =	sdelay $0x4  }
0x136: {  	[tilespmem:s9+$0xF060] =	vst v5  }
0x137: {  	v5 =	vld.idx.msk [tilespmem:v4+s18+$0x0], $0xffff;
	_ =	sdelay $0x4  }
0x138: {  	[tilespmem:s9+$0xA070] =	vst v5  }
0x139: {  	v4 =	vld.idx.msk [tilespmem:v4+s17+$0x0], $0xffff;
	_ =	sdelay $0x4  }
0x13a: {  	s19 =	simm.s32 $0x0;
	s20 =	simm.s32 $0xA000;
	[tilespmem:s9+$0xF070] =	vst v4  }
0x13b: {  	[spmem:s3] =	stream.indirect.scatter.add.f32 [tilespmem:s20], [sflag:$0x1], $0x1, s19, s24, $0xb8;
	[tilespmem:$0x1B200] =	vst v63  }
0x13c: {  	_ =	swait.ge [sflag:s16], $0x80  }
0x13d: {  	[sflag:s16] =	ssyncset.done $0x0  }
0x13e: {  	s25 =	simm.s32 $0xF000;
	[sflag:s16] =	ssyncadd.s32 $0xFFFFFF80  }
0x13f: {  	[spmem:s4] =	stream.indirect.scatter.add.f32 [tilespmem:s25], [sflag:$0x1], $0x1, s19, s24, $0xb8;
	[tilespmem:$0x1B200] =	vst v63  }
0x140: {  	_ =	swait.ge [sflag:s16], $0x80  }
0x141: {  	s0 =	simm.s32 $0x80;
	s9 =	simm.s32 $0x400;
	[sflag:s16] =	ssyncset.done $0x0  }
.LBB2_15:
0x142: {  	s10 =	sadd.s32 $0xA000, s0  }
0x143: {  	[sflag:s16] =	ssyncadd.s32 $0xFFFFFF80;
	s12 =	smov.u32 s9;
	s13 =	sadd.s32 $0x200, s9  }
0x144: {  	[spmem:s3] =	stream.indirect.scatter.add.f32 [tilespmem:s10], [sflag:$0x1], $0x1, s0, s24, $0xb8;
	[tilespmem:$0x1B200] =	vst v63  }
0x145: {  	p1 =	sne.s32 s9, $0x13800;
	_ =	swait.ge [sflag:s16], $0x80  }
.Ltmp8:
0x146: {  	[sflag:s16] =	ssyncset.done $0x0;
	(pc) =	sbr.rel @p1 .LBB2_15-.Ltmp8, $4  }
0x147: {  	s9 =	sadd.s32 $0xF000, s0;
	[sflag:s16] =	ssyncadd.s32 $0xFFFFFF80  }
0x148: {  	[spmem:s4] =	stream.indirect.scatter.add.f32 [tilespmem:s9], [sflag:$0x1], $0x1, s0, s24, $0xb8;
	[tilespmem:$0x1B200] =	vst v63  }
0x149: {  	_ =	swait.ge [sflag:s16], $0x80  }
0x14a: {  	s0 =	sshra.s32 s12, $0x2;
	s9 =	smov.u32 s13;
	[sflag:s16] =	ssyncset.done $0x0  }
0x14b: {  	s9 =	sadd.s32 $0xA000, s0;
	[sflag:s16] =	ssyncadd.s32 $0xFFFFFF80  }
0x14c: {  	[spmem:s3] =	stream.indirect.scatter.add.f32 [tilespmem:s9], [sflag:$0x1], $0x1, s0, s24, $0xb8;
	[tilespmem:$0x1B200] =	vst v63  }
0x14d: {  	_ =	swait.ge [sflag:s16], $0x80  }
0x14e: {  	[sflag:s16] =	ssyncset.done $0x0  }
0x14f: {  	s13 =	sadd.s32 $0xF000, s0;
	[sflag:s16] =	ssyncadd.s32 $0xFFFFFF80  }
0x150: {  	[spmem:s4] =	stream.indirect.scatter.add.f32 [tilespmem:s13], [sflag:$0x1], $0x1, s0, s24, $0xb8;
	[tilespmem:$0x1B200] =	vst v63  }
0x151: {  	_ =	swait.ge [sflag:s16], $0x80  }
0x152: {  	[sflag:s16] =	ssyncset.done $0x0  }
0x153: {  	[sflag:s16] =	ssyncadd.s32 $0xFFFFFF80  }
0x154: {  	s19 =	simm.s32 $0x19000;
	[bflag:$0x0] =	sbarrier.arrive $0xFFFF  }
0x155: {  	[tilespmem:s19], [sflag:$0x1] =	stream.linear.gather [spmem:s22], $0x280, $0x38;
	[tilespmem:$0x1B200] =	vst v63  }
0x156: {  	_ =	swait.ge [sflag:s16], $0x280  }
0x157: {  	[sflag:s16] =	ssyncset.done $0x0  }
0x158: {  	s20 =	simm.s32 $0x19280;
	[sflag:s16] =	ssyncadd.s32 $0xFFFFFD80  }
0x159: {  	[tilespmem:s20], [sflag:$0x1] =	stream.linear.gather [spmem:s23], $0x280, $0x38;
	[tilespmem:$0x1B200] =	vst v63  }
0x15a: {  	_ =	swait.ge [sflag:s16], $0x280  }
0x15b: {  	[sflag:s16] =	ssyncset.done $0x0  }
0x15c: {  	[sflag:s16] =	ssyncadd.s32 $0xFFFFFD80  }
0x15d: {  	s10 =	simm.s32 $0x0;
	s12 =	simm.s32 $0x19A00;
	s25 =	sadd.s32 $0x0, s8;
	v4 =	vld [tilespmem:s19+$0x0]  }
0x15e: {  	s10 =	sand.u32 $0x70, s10;
	s0 =	sand.u32 $0x7F80, s25;
	v5 =	vld [tilespmem:s12+$0x0]  }
0x15f: {  	s0 =	sor.u32 s10, s0;
	v6 =	vld [tilespmem:s20+$0x0]  }
0x160: {  	v7 =	vld [tilespmem:s0+$0x14000]  }
0x161: {  	v8 =	vld [tilespmem:s0+$0x16800];
	_ =	sdelay $0x1  }
0x162: {  	v4 =	vmul.f32 v5, v4  }
0x163: {  	v5 =	vmul.f32 v5, v6  }
0x164: {  	v6 =	vmul.f32 v7, v2;
	v4 =	vmul.f32 v4, v3  }
0x165: {  	v7 =	vmul.f32 v8, v2;
	v5 =	vmul.f32 v5, v3  }
0x166: {  	v4 =	vadd.f32 v4, v6  }
0x167: {  	s0 =	simm.s32 $0x19500;
	v5 =	vadd.f32 v7, v5  }
0x168: {  	s12 =	simm.s32 $0x19780;
	[tilespmem:s0+$0x0] =	vst v4  }
0x169: {  	s9 =	simm.s32 $0x19010;
	s13 =	simm.s32 $0x10;
	[tilespmem:s12+$0x0] =	vst v5  }
0x16a: {  	s10 =	simm.s32 $0x19290;
	s20 =	sadd.s32 $0x10, s8;
	s19 =	simm.s32 $0x19A10;
	v4 =	vld [tilespmem:s9+$0x0]  }
0x16b: {  	s13 =	sand.u32 $0x70, s13;
	s25 =	sand.u32 $0x7F80, s20;
	s20 =	simm.s32 $0x20;
	v5 =	vld [tilespmem:s19+$0x0]  }
.LBB2_17:
0x16c: {  	p1 =	sne.s32 s20, $0x270;
	v6 =	vld [tilespmem:s10+$0x0];
	s13 =	sor.u32 s13, s25  }
0x16d: {  	v7 =	vld [tilespmem:s13+$0x14000]  }
0x16e: {  	v8 =	vld [tilespmem:s13+$0x16800];
	_ =	sdelay $0x1  }
0x16f: {  	v4 =	vmul.f32 v5, v4  }
0x170: {  	v5 =	vmul.f32 v5, v6  }
0x171: {  	v6 =	vmul.f32 v7, v2;
	v4 =	vmul.f32 v4, v3  }
0x172: {  	v7 =	vmul.f32 v8, v2;
	v5 =	vmul.f32 v5, v3  }
0x173: {  	v4 =	vadd.f32 v4, v6  }
.Ltmp9:
0x174: {  	s0 =	sadd.s32 $0x10, s0;
	v5 =	vadd.f32 v7, v5;
	(pc) =	sbr.rel @p1 .LBB2_17-.Ltmp9, $4  }
0x175: {  	s12 =	sadd.s32 $0x10, s12;
	[tilespmem:s0+$0x0] =	vst v4  }
0x176: {  	s9 =	sadd.s32 $0x10, s9;
	[tilespmem:s12+$0x0] =	vst v5  }
0x177: {  	s10 =	sadd.s32 $0x10, s10;
	s19 =	sadd.s32 $0x10, s19;
	s13 =	sadd.s32 s20, s8;
	v4 =	vld [tilespmem:s9+$0x0]  }
0x178: {  	s25 =	sand.u32 $0x7F80, s13;
	s13 =	sand.u32 $0x70, s20;
	s20 =	sadd.s32 $0x10, s20;
	v5 =	vld [tilespmem:s19+$0x0]  }
0x179: {  	v6 =	vld [tilespmem:s10+$0x0];
	s9 =	sor.u32 s13, s25  }
0x17a: {  	v7 =	vld [tilespmem:s9+$0x14000]  }
0x17b: {  	v8 =	vld [tilespmem:s9+$0x16800];
	_ =	sdelay $0x1  }
0x17c: {  	v4 =	vmul.f32 v5, v4  }
0x17d: {  	v5 =	vmul.f32 v5, v6  }
0x17e: {  	v62 =	vmul.f32 v7, v2;
	v4 =	vmul.f32 v4, v3  }
0x17f: {  	v63 =	vmul.f32 v8, v2;
	v5 =	vmul.f32 v5, v3  }
0x180: {  	v4 =	vadd.f32 v4, v62  }
0x181: {  	s0 =	sadd.s32 $0x10, s0;
	v5 =	vadd.f32 v63, v5  }
0x182: {  	s25 =	sadd.s32 $0x10, s12;
	[tilespmem:s0+$0x0] =	vst v4  }
0x183: {  	[tilespmem:s25+$0x0] =	vst v5  }
0x184: {  	[spmem:s22] =	stream.linear.scatter [tilespmem:s21], [sflag:$0x1], $0x280, $0x38;
	[tilespmem:$0x1B200] =	vst v63  }
0x185: {  	_ =	swait.ge [sflag:s16], $0x280  }
0x186: {  	[sflag:s16] =	ssyncset.done $0x0  }
0x187: {  	[sflag:s16] =	ssyncadd.s32 $0xFFFFFD80  }
0x188: {  	[spmem:s23] =	stream.linear.scatter [tilespmem:s21], [sflag:$0x1], $0x280, $0x38;
	[tilespmem:$0x1B200] =	vst v63  }
0x189: {  	_ =	swait.ge [sflag:s16], $0x280  }
0x18a: {  	[sflag:s16] =	ssyncset.done $0x0  }
0x18b: {  	[sflag:s16] =	ssyncadd.s32 $0xFFFFFD80  }
0x18c: {  	[spmem:s26] =	stream.linear.scatter [tilespmem:s29], [sflag:$0x1], $0x280, $0x38;
	[tilespmem:$0x1B200] =	vst v63  }
0x18d: {  	_ =	swait.ge [sflag:s16], $0x280  }
0x18e: {  	[sflag:s16] =	ssyncset.done $0x0  }
0x18f: {  	[sflag:s16] =	ssyncadd.s32 $0xFFFFFD80  }
0x190: {  	[spmem:s28] =	stream.linear.scatter [tilespmem:s30], [sflag:$0x1], $0x280, $0x38;
	[tilespmem:$0x1B200] =	vst v63  }
0x191: {  	_ =	swait.ge [sflag:s16], $0x280  }
0x192: {  	[sflag:s16] =	ssyncset.done $0x0  }
0x193: {  	[sflag:s16] =	ssyncadd.s32 $0xFFFFFD80  }
0x194: {  	[bflag:$0x0] =	sbarrier.arrive $0xFFFF  }
0x195: {  	[tilespmem:s18], [sflag:$0x1] =	stream.linear.gather [spmem:s5], $0x2800, $0x38;
	[tilespmem:$0x1B200] =	vst v63  }
0x196: {  	s2 =	sadd.s32 $0x1, s2;
	_ =	swait.ge [sflag:s16], $0x2800  }
0x197: {  	p1 =	sne.s32 s2, $0x5;
	[sflag:s16] =	ssyncset.done $0x0  }
.Ltmp10:
0x198: {  	[sflag:s16] =	ssyncadd.s32 $0xFFFFD800;
	(pc) =	sbr.rel @p1 .LBB2_12-.Ltmp10, $4  }
0x199: {  	[tilespmem:s17], [sflag:$0x1] =	stream.linear.gather [spmem:s6], $0x2800, $0x38;
	[tilespmem:$0x1B200] =	vst v63  }
0x19a: {  	_ =	swait.ge [sflag:s16], $0x2800  }
0x19b: {  	[sflag:s16] =	ssyncset.done $0x0  }
0x19c: {  	[sflag:s16] =	ssyncadd.s32 $0xFFFFD800  }
0x19d: {  	v2 =	vld [tilespmem:s11+$0x19F00];
	_ =	sdelay $0x7  }
0x19e: {  	v2 =	vld.idx.msk [tilespmem:v2+s17+$0x0], $0xffff;
	_ =	sdelay $0x1  }
.Ltmp11:
0x19f: {  	_ = 	snop;
	(pc) =	sbr.rel @p0 .LBB2_21-.Ltmp11, $3  }
0x1a0: {  	_ =	sdelay $0x1  }
0x1a1: {  	v2 =	vmax.f32 v2, $9.999999970e-07  }
0x1a2: {  	[tilespmem:$0x1A780] =	vst v2  }
0x1a3: {  	s0 =	rddreg [dreg:$0xa]  }
0x1a4: {  	[hbm4b:s0+s7] =	stream.linear.scatter [tilespmem:s31], [sflag:$0x1], $0x10, $0x38;
	[tilespmem:$0x1B200] =	vst v63  }
0x1a5: {  	_ =	swait.ge [sflag:s16], $0x10  }
0x1a6: {  	[sflag:s16] =	ssyncset.done $0x0  }
0x1a7: {  	[sflag:s16] =	ssyncadd.s32 $0xFFFFFFF0  }
0x1a8: {  	v2 =	vld [tilespmem:s11+$0x1A300];
	_ =	sdelay $0x7  }
0x1a9: {  	v2 =	vld.idx.msk [tilespmem:v2+s18+$0x0], $0xffff;
	_ =	sdelay $0x4  }
0x1aa: {  	v2 =	vmax.f32 v2, $9.999999970e-07  }
0x1ab: {  	s19 =	rddreg [dreg:$0x14];
	[tilespmem:$0x1A780] =	vst v2  }
0x1ac: {  	[hbm4b:s19+s7] =	stream.linear.scatter [tilespmem:s31], [sflag:$0x1], $0x10, $0x38;
	[tilespmem:$0x1B200] =	vst v63  }
0x1ad: {  	_ =	swait.ge [sflag:s16], $0x10  }
0x1ae: {  	[sflag:s16] =	ssyncset.done $0x0  }
0x1af: {  	s20 =	rddreg [dreg:$0xb];
	[sflag:s16] =	ssyncadd.s32 $0xFFFFFFF0  }
0x1b0: {  	v2 =	vld [tilespmem:s20+$0x19F00];
	_ =	sdelay $0x7  }
0x1b1: {  	v2 =	vld.idx.msk [tilespmem:v2+s17+$0x0], $0xffff;
	_ =	sdelay $0x4  }
0x1b2: {  	v2 =	vmax.f32 v2, $9.999999970e-07  }
0x1b3: {  	s2 =	rddreg [dreg:$0xc];
	[tilespmem:$0x1A780] =	vst v2  }
0x1b4: {  	[hbm4b:s2+s7] =	stream.linear.scatter [tilespmem:s31], [sflag:$0x1], $0x10, $0x38;
	[tilespmem:$0x1B200] =	vst v63  }
0x1b5: {  	_ =	swait.ge [sflag:s16], $0x10  }
0x1b6: {  	[sflag:s16] =	ssyncset.done $0x0  }
0x1b7: {  	[sflag:s16] =	ssyncadd.s32 $0xFFFFFFF0  }
0x1b8: {  	v2 =	vld [tilespmem:s20+$0x1A300];
	_ =	sdelay $0x7  }
0x1b9: {  	v2 =	vld.idx.msk [tilespmem:v2+s18+$0x0], $0xffff;
	_ =	sdelay $0x4  }
0x1ba: {  	v2 =	vmax.f32 v2, $9.999999970e-07  }
0x1bb: {  	s25 =	rddreg [dreg:$0x15];
	[tilespmem:$0x1A780] =	vst v2  }
0x1bc: {  	[hbm4b:s25+s7] =	stream.linear.scatter [tilespmem:s31], [sflag:$0x1], $0x10, $0x38;
	[tilespmem:$0x1B200] =	vst v63  }
0x1bd: {  	_ =	swait.ge [sflag:s16], $0x10  }
0x1be: {  	[sflag:s16] =	ssyncset.done $0x0  }
0x1bf: {  	[sflag:s16] =	ssyncadd.s32 $0xFFFFFFF0  }
0x1c0: {  	v2 =	vld [tilespmem:s14+$0x19F00];
	_ =	sdelay $0x7  }
0x1c1: {  	v2 =	vld.idx.msk [tilespmem:v2+s17+$0x0], $0xffff;
	_ =	sdelay $0x4  }
0x1c2: {  	v2 =	vmax.f32 v2, $9.999999970e-07  }
0x1c3: {  	v2 =	vnsel vm1, $0x3F800000, v2  }
0x1c4: {  	s2 =	rddreg [dreg:$0xd];
	[tilespmem:$0x1A780] =	vst v2  }
0x1c5: {  	[hbm4b:s2+s7] =	stream.linear.scatter [tilespmem:s31], [sflag:$0x1], $0x10, $0x38;
	[tilespmem:$0x1B200] =	vst v63  }
0x1c6: {  	_ =	swait.ge [sflag:s16], $0x10  }
0x1c7: {  	[sflag:s16] =	ssyncset.done $0x0  }
0x1c8: {  	[sflag:s16] =	ssyncadd.s32 $0xFFFFFFF0  }
0x1c9: {  	v2 =	vld [tilespmem:s14+$0x1A300];
	_ =	sdelay $0x7  }
0x1ca: {  	v2 =	vld.idx.msk [tilespmem:v2+s18+$0x0], $0xffff;
	_ =	sdelay $0x4  }
0x1cb: {  	v2 =	vmax.f32 v2, $9.999999970e-07  }
0x1cc: {  	v2 =	vnsel vm1, $0x3F800000, v2  }
0x1cd: {  	s9 =	rddreg [dreg:$0x16];
	[tilespmem:$0x1A780] =	vst v2  }
0x1ce: {  	[hbm4b:s9+s7] =	stream.linear.scatter [tilespmem:s31], [sflag:$0x1], $0x10, $0x38;
	[tilespmem:$0x1B200] =	vst v63  }
0x1cf: {  	_ =	swait.ge [sflag:s16], $0x10  }
0x1d0: {  	[sflag:s16] =	ssyncset.done $0x0  }
0x1d1: {  	[sflag:s16] =	ssyncadd.s32 $0xFFFFFFF0  }
0x1d2: {  	v2 =	vld [tilespmem:s15+$0x19F00];
	_ =	sdelay $0x7  }
0x1d3: {  	v2 =	vld.idx.msk [tilespmem:v2+s17+$0x0], $0xffff;
	_ =	sdelay $0x4  }
0x1d4: {  	v2 =	vmax.f32 v2, $9.999999970e-07  }
0x1d5: {  	v2 =	vnsel vm0, $0x3F800000, v2  }
0x1d6: {  	s10 =	rddreg [dreg:$0xe];
	[tilespmem:$0x1A780] =	vst v2  }
0x1d7: {  	[hbm4b:s10+s7] =	stream.linear.scatter [tilespmem:s31], [sflag:$0x1], $0x10, $0x38;
	[tilespmem:$0x1B200] =	vst v63  }
0x1d8: {  	_ =	swait.ge [sflag:s16], $0x10  }
0x1d9: {  	[sflag:s16] =	ssyncset.done $0x0  }
0x1da: {  	[sflag:s16] =	ssyncadd.s32 $0xFFFFFFF0  }
0x1db: {  	v2 =	vld [tilespmem:s15+$0x1A300];
	_ =	sdelay $0x7  }
0x1dc: {  	v2 =	vld.idx.msk [tilespmem:v2+s18+$0x0], $0xffff;
	_ =	sdelay $0x4  }
0x1dd: {  	v2 =	vmax.f32 v2, $9.999999970e-07  }
0x1de: {  	v2 =	vnsel vm0, $0x3F800000, v2  }
0x1df: {  	s12 =	rddreg [dreg:$0x17];
	[tilespmem:$0x1A780] =	vst v2  }
0x1e0: {  	[hbm4b:s12+s7] =	stream.linear.scatter [tilespmem:s31], [sflag:$0x1], $0x10, $0x38;
	[tilespmem:$0x1B200] =	vst v63  }
0x1e1: {  	_ =	swait.ge [sflag:s16], $0x10  }
0x1e2: {  	[sflag:s16] =	ssyncset.done $0x0;
	s13 =	rddreg [dreg:$0x11]  }
0x1e3: {  	s19 =	rddreg [dreg:$0x18];
	[sflag:s16] =	ssyncadd.s32 $0xFFFFFFF0  }
0x1e4: {  	[hbm4b:s13+s7] =	stream.linear.scatter [tilespmem:s19], [sflag:$0x1], $0x280, $0x38;
	[tilespmem:$0x1B200] =	vst v63  }
0x1e5: {  	_ =	swait.ge [sflag:s16], $0x280  }
0x1e6: {  	[sflag:s16] =	ssyncset.done $0x0;
	s20 =	rddreg [dreg:$0x12]  }
.Ltmp12:
0x1e7: {  	s25 =	rddreg [dreg:$0x19];
	[sflag:s16] =	ssyncadd.s32 $0xFFFFFD80;
	(pc) =	sbr.rel .LBB2_22-.Ltmp12, $4  }
0x1e8: {  	[hbm4b:s20+s7] =	stream.linear.scatter [tilespmem:s25], [sflag:$0x1], $0x280, $0x38;
	[tilespmem:$0x1B200] =	vst v63  }
0x1e9: {  	_ =	swait.ge [sflag:s16], $0x280  }
0x1ea: {  	[sflag:s16] =	ssyncset.done $0x0  }
0x1eb: {  	[sflag:s16] =	ssyncadd.s32 $0xFFFFFD80  }
.LBB2_23:
0x1ec: {  	_ =	sfence.sel $0x180000  }
0x1ed: {  	[bflag:$0x0] =	sbarrier.arrive $0xFFFF  }
0x1ee: {  	_ =	strace $0x90000047  }
0x1ef: {  	s0 =	stileid.u32;
	[bflag:$0x2] =	sbarrier.arrive $0xFFFF  }
0x1f0: {  	p0 =	sne.s32 s0, $0x0;
	s0 =	rddreg [dreg:$0x7]  }
0x1f1: {  	s0 =	sadd.s32 @!p0 $0x100000, s0  }
0x1f2: {  	[sflag:s0] =	ssyncadd.tile.s32 @!p0 $0x1;
	_ =	shalt  }
.Lfunc_end2:
_tile_overlayer_lowered:
.L_overlay_start_2:
0x1f3: {  	(tag) =	ssettag $0x2  }
0x1f4: {  	s0 =	rddreg [dreg:$0x0];
	s2 =	stileid.u32  }
0x1f5: {  	s1 =	rddreg [dreg:$0x1];
	p0 =	sne.s32 s2, $0x0  }
0x1f6: {  	s3 =	rddreg [dreg:$0x2];
	[bflag:$0x3] =	sbarrier.arrive $0xFFFF;
	s2 =	simm.s32 @!p0 $0x1C01  }
0x1f7: {  	[timem:s3], [sflag:s2] =	dma.local @!p0 [hbm:s0], s1  }
0x1f8: {  	s0 =	simm.s32 @!p0 $0x1  }
0x1f9: {  	_ =	swait.ge @!p0 [sflag:s0], s1  }
0x1fa: {  	s1 =	ssub.s32 @!p0 $0x0, s1;
	[sflag:s0] =	ssyncset.done @!p0 $0x0  }
0x1fb: {  	[sflag:s0] =	ssyncadd.s32 @!p0 s1  }
0x1fc: {  	[bflag:$0x3] =	sbarrier.arrive $0xFFFF  }
0x1fd: {  	_ =	shalt  }

</sc_bundles>
